<compile_context>
chip_gen: v7x
topology: tpu7x:2x2x1
jax: 0.10.2.dev20260603
libtpu: 0.0.44.dev20260713+nightly
codegen_flags: <defaults>
</compile_context>

<pallas_src>
import functools

import jax
import jax.numpy as jnp
from jax import lax
from jax.experimental import pallas as pl
from jax.experimental.pallas import tpu as pltpu
from jax.experimental.pallas import tpu_sc as plsc

N = 10000
E = 320000
D = 128
G = 64

_HI = lax.Precision.HIGHEST
_DP = lax.Precision.DEFAULT

def _proj_body(x_ref, ws_ref, wd_ref, xs_ref, xd_ref):
    x = x_ref[...]
    xs_ref[...] = jnp.dot(x, ws_ref[...], precision=_DP)
    xd_ref[...] = jnp.dot(x, wd_ref[...], precision=_DP)


def _node_proj(x, ws, wd):
    return pl.pallas_call(
        _proj_body,
        out_shape=[jax.ShapeDtypeStruct((N, D), jnp.float32),
                   jax.ShapeDtypeStruct((N, D), jnp.float32)],
    )(x, ws, wd)


_BE = 3200
_NBE = E // _BE


def _et_body(ea_ref, we_ref, et_ref):
    et_ref[...] = jnp.dot(ea_ref[...], we_ref[...], precision=_DP)


def _edge_term(ea, we):
    return pl.pallas_call(
        _et_body,
        grid=(_NBE,),
        in_specs=[pl.BlockSpec((_BE, 4), lambda i: (i, 0)),
                  pl.BlockSpec((4, D), lambda i: (0, 0))],
        out_specs=pl.BlockSpec((_BE, D), lambda i: (i, 0)),
        out_shape=jax.ShapeDtypeStruct((E, D), jnp.float32),
    )(ea, we)


_NW = 32
_BLK = 64
_NBT = E // _BLK
_KMAX = (_NBT + _NW - 1) // _NW
_RPS = 624
_TAIL = N - 16 * _RPS


def _sc_body(xs_hbm, xd_hbm, et_hbm, src_hbm, dst_hbm, zero_hbm, out_hbm,
             agg_sh, srcv0, dstv0, srcv1, dstv1, bufa0, bufb0, bufa1, bufb1,
             eta0, eta1, sa0, sb0, sa1, sb1, se0, se1):
    c = lax.axis_index("c")
    s = lax.axis_index("s")
    wid = c * 16 + s
    rows = pl.ds(s * _RPS, _RPS)
    tail = pl.ds(16 * _RPS, _TAIL)
    pltpu.sync_copy(zero_hbm.at[rows], agg_sh.at[rows])

    @pl.when(s == 0)
    def _zero_tail():
        pltpu.sync_copy(zero_hbm.at[tail], agg_sh.at[tail])

    plsc.subcore_barrier()

    bufs = ((srcv0, dstv0, bufa0, bufb0, eta0, sa0, sb0, se0),
            (srcv1, dstv1, bufa1, bufb1, eta1, sa1, sb1, se1))

    def start(k, p):
        srcv, dstv, bufa, bufb, eta, sa, sb, se = bufs[p]
        b = k * _NW + wid

        @pl.when(b < _NBT)
        def _():
            base = b * _BLK
            pltpu.sync_copy(src_hbm.at[pl.ds(base, _BLK)], srcv)
            pltpu.sync_copy(dst_hbm.at[pl.ds(base, _BLK)], dstv)
            pltpu.async_copy(xs_hbm.at[srcv], bufa, sa)
            pltpu.async_copy(xd_hbm.at[dstv], bufb, sb)
            pltpu.async_copy(et_hbm.at[pl.ds(base, _BLK)], eta, se)

    def finish(k, p):
        srcv, dstv, bufa, bufb, eta, sa, sb, se = bufs[p]
        b = k * _NW + wid

        @pl.when(b < _NBT)
        def _():
            base = b * _BLK
            pltpu.make_async_copy(xs_hbm.at[srcv], bufa, sa).wait()
            pltpu.make_async_copy(xd_hbm.at[dstv], bufb, sb).wait()
            pltpu.make_async_copy(
                et_hbm.at[pl.ds(base, _BLK)], eta, se).wait()

            def row(j, _):
                for r in range(D // 16):
                    sl = pl.ds(r * 16, 16)
                    v = eta[j, sl] + bufa[j, sl] + bufb[j, sl]
                    eta[j, sl] = jnp.maximum(v, 0.0)
                return 0

            lax.fori_loop(0, _BLK, row, 0)
            pltpu.sync_copy(eta, agg_sh.at[dstv], add=True)

    start(0, 0)

    def pair(kk, carry):
        ka = 2 * kk + 1
        start(ka, 1)
        finish(2 * kk, 0)
        start(ka + 1, 0)
        finish(ka, 1)
        return carry

    lax.fori_loop(0, (_KMAX - 1) // 2, pair, 0)
    finish(_KMAX - 1, 0)

    plsc.subcore_barrier()
    pltpu.sync_copy(agg_sh.at[rows], out_hbm.at[c, rows])

    @pl.when(s == 0)
    def _out_tail():
        pltpu.sync_copy(agg_sh.at[tail], out_hbm.at[c, tail])


def _sc_msgpass(xs, xd, et, src, dst, zeros):
    mesh = plsc.VectorSubcoreMesh(core_axis_name="c", subcore_axis_name="s")
    f = functools.partial(
        pl.kernel,
        mesh=mesh,
        out_type=jax.ShapeDtypeStruct((2, N, D), jnp.float32),
        scratch_types=[
            pltpu.VMEM_SHARED((N, D), jnp.float32),
            pltpu.VMEM((_BLK,), jnp.int32),
            pltpu.VMEM((_BLK,), jnp.int32),
            pltpu.VMEM((_BLK,), jnp.int32),
            pltpu.VMEM((_BLK,), jnp.int32),
            pltpu.VMEM((_BLK, D), jnp.float32),
            pltpu.VMEM((_BLK, D), jnp.float32),
            pltpu.VMEM((_BLK, D), jnp.float32),
            pltpu.VMEM((_BLK, D), jnp.float32),
            pltpu.VMEM((_BLK, D), jnp.float32),
            pltpu.VMEM((_BLK, D), jnp.float32),
            pltpu.SemaphoreType.DMA,
            pltpu.SemaphoreType.DMA,
            pltpu.SemaphoreType.DMA,
            pltpu.SemaphoreType.DMA,
            pltpu.SemaphoreType.DMA,
            pltpu.SemaphoreType.DMA,
        ],
    )(_sc_body)
    return f(xs, xd, et, src, dst, zeros)


_BN = 1000
_NBN = N // _BN


def _post_body(x_ref, aggp_ref, ids_ref, wu_ref, wd_ref, wt_ref,
               out_ref, cont_ref, sums_s, counts_s):
    i = pl.program_id(0)

    @pl.when(i == 0)
    def _init():
        sums_s[...] = jnp.zeros_like(sums_s)
        counts_s[...] = jnp.zeros_like(counts_s)

    x = x_ref[...]
    agg = aggp_ref[0] + aggp_ref[1]
    new_lat = jax.nn.relu(
        jnp.dot(x, wu_ref[:D, :], precision=_DP)
        + jnp.dot(agg, wu_ref[D:, :], precision=_DP))
    out_ref[...] = (jnp.dot(x, wd_ref[:D, :], precision=_DP)
                    + jnp.dot(new_lat, wd_ref[D:, :], precision=_DP))
    ids = ids_ref[0]
    iota = lax.broadcasted_iota(jnp.int32, (G, _BN), 0)
    onehot = (ids == iota).astype(jnp.float32)
    sums_s[...] += lax.dot_general(
        onehot, new_lat, dimension_numbers=(((1,), (0,)), ((), ())),
        precision=_HI)
    counts_s[...] += jnp.sum(onehot, axis=1, keepdims=True)

    @pl.when(i == _NBN - 1)
    def _fin():
        graph_emb = sums_s[...] / jnp.maximum(counts_s[...], 1.0)
        cont_ref[...] = jnp.dot(graph_emb, wt_ref[...], precision=_DP)


def _post(x, aggp, ids_row, w_upd, w_dec, w_term):
    return pl.pallas_call(
        _post_body,
        grid=(_NBN,),
        in_specs=[pl.BlockSpec((_BN, D), lambda i: (i, 0)),
                  pl.BlockSpec((2, _BN, D), lambda i: (0, i, 0)),
                  pl.BlockSpec((1, 1, _BN), lambda i: (i, 0, 0)),
                  pl.BlockSpec((2 * D, D), lambda i: (0, 0)),
                  pl.BlockSpec((2 * D, 1), lambda i: (0, 0)),
                  pl.BlockSpec((D, 1), lambda i: (0, 0))],
        out_specs=[pl.BlockSpec((_BN, 1), lambda i: (i, 0)),
                   pl.BlockSpec((G, 1), lambda i: (0, 0))],
        out_shape=[jax.ShapeDtypeStruct((N, 1), jnp.float32),
                   jax.ShapeDtypeStruct((G, 1), jnp.float32)],
        scratch_shapes=[pltpu.VMEM((G, D), jnp.float32),
                        pltpu.VMEM((G, 1), jnp.float32)],
    )(x, aggp, ids_row, w_upd, w_dec, w_term)


def kernel(x, edge_index, edge_attr, batch_ids, W_msg, W_upd, W_dec, W_term):
    src = edge_index[0]
    dst = edge_index[1]
    ws = W_msg[:D]
    wd = W_msg[D:2 * D]
    we = W_msg[2 * D:]
    zeros = jnp.zeros((N, D), jnp.float32)
    ids_row = batch_ids.astype(jnp.int32).reshape(_NBN, 1, _BN)

    xs, xd = _node_proj(x, ws, wd)
    et = _edge_term(edge_attr, we)
    aggp = _sc_msgpass(xs, xd, et, src, dst, zeros)
    out, cont = _post(x, aggp, ids_row, W_upd, W_dec, W_term)
    return out, cont.reshape(-1)

# --- scband reference (transcript-rebuilt; emitter-appended) ---
"""Pipeline reference for scband-algorithm-base-50457275793594 (READ-ONLY COPY).

The authoritative reference and input builder live on the scoring server;
editing this copy changes nothing except your own understanding.
"""

import jax, jax.numpy as jnp
import numpy as np

N = 10000      # nodes
E = 320000     # edges
D = 128        # latent_features
ED = 4         # edge_features
G = 64         # num_graphs in batch
OUT = 1        # output_features


def setup_inputs(seed: int = 0) -> dict:
    key = jax.random.key(seed)
    ks = jax.random.split(key, 8)
    x = jax.random.normal(ks[0], (N, D), dtype=jnp.float32)
    edge_index = jax.random.randint(ks[1], (2, E), 0, N)
    edge_attr = jax.random.normal(ks[2], (E, ED), dtype=jnp.float32)
    batch_ids = jnp.sort(jax.random.randint(ks[3], (N,), 0, G))
    # learned parameters (processor MPNN + DecoderNetwork(2*latent -> out) + termination head, bias=False)
    W_msg = jax.random.normal(ks[4], (2 * D + ED, D), dtype=jnp.float32) / np.sqrt(2 * D + ED)
    W_upd = jax.random.normal(ks[5], (2 * D, D), dtype=jnp.float32) / np.sqrt(2 * D)
    W_dec = jax.random.normal(ks[6], (2 * D, OUT), dtype=jnp.float32) / np.sqrt(2 * D)
    W_term = jax.random.normal(ks[7], (D, 1), dtype=jnp.float32) / np.sqrt(D)
    return {
        'x': x,
        'edge_index': edge_index,
        'edge_attr': edge_attr,
        'batch_ids': batch_ids,
        'W_msg': W_msg,
        'W_upd': W_upd,
        'W_dec': W_dec,
        'W_term': W_term,
    }


def reference(x, edge_index, edge_attr, batch_ids, W_msg, W_upd, W_dec, W_term):
    # One processor step of AlgorithmBase.process():
    # MPNN message passing over edge_index, then DecoderNetwork on
    # concat(input_latent, new_latent), then termination head on the
    # per-graph embedding (utils.get_graph_embedding -> mean over nodes).
    src = edge_index[0]
    dst = edge_index[1]
    # messages: gather src/dst latents + edge features
    msg_in = jnp.concatenate([x[src], x[dst], edge_attr], axis=1)
    msg = jax.nn.relu(msg_in @ W_msg)
    # scatter-add aggregation into destination nodes
    agg = jax.ops.segment_sum(msg, dst, num_segments=x.shape[0])
    # node update
    new_latent = jax.nn.relu(jnp.concatenate([x, agg], axis=1) @ W_upd)
    # decoder network on 2*latent_features
    out = jnp.concatenate([x, new_latent], axis=1) @ W_dec
    # graph embedding (mean pooling over batch_ids) + termination network
    ones = jnp.ones((x.shape[0], 1), dtype=x.dtype)
    counts = jnp.maximum(jax.ops.segment_sum(ones, batch_ids, num_segments=G), 1.0)
    graph_emb = jax.ops.segment_sum(new_latent, batch_ids, num_segments=G) / counts
    continue_p = (graph_emb @ W_term).reshape(-1)
    return out, continue_p

if __name__ == "__main__":
    import jax
    _d = setup_inputs()
    print(jax.jit(kernel)(*tuple(_d.values())))

</pallas_src>

<mosaic_0001>
#map = affine_map<(d0, d1) -> (0, 0)>
#map1 = affine_map<(d0, d1) -> (0)>
#map2 = affine_map<(d0, d1) -> (0, 0, 0)>
module attributes {stable_mosaic.version = 14 : i64} {
  func.func @_sc_body(%arg0: i32, %arg1: i32, %arg2: memref<10000x128xf32, #tpu.memory_space<hbm>>, %arg3: memref<10000x128xf32, #tpu.memory_space<hbm>>, %arg4: memref<320000x128xf32, #tpu.memory_space<hbm>>, %arg5: memref<320000xi32, #tpu.memory_space<hbm>>, %arg6: memref<320000xi32, #tpu.memory_space<hbm>>, %arg7: memref<10000x128xf32, #tpu.memory_space<hbm>>, %arg8: memref<2x10000x128xf32, #tpu.memory_space<hbm>>, %arg9: memref<10000x128xf32, #tpu.memory_space<vmem_shared>>, %arg10: memref<64xi32, #tpu.memory_space<vmem>>, %arg11: memref<64xi32, #tpu.memory_space<vmem>>, %arg12: memref<64xi32, #tpu.memory_space<vmem>>, %arg13: memref<64xi32, #tpu.memory_space<vmem>>, %arg14: memref<64x128xf32, #tpu.memory_space<vmem>>, %arg15: memref<64x128xf32, #tpu.memory_space<vmem>>, %arg16: memref<64x128xf32, #tpu.memory_space<vmem>>, %arg17: memref<64x128xf32, #tpu.memory_space<vmem>>, %arg18: memref<64x128xf32, #tpu.memory_space<vmem>>, %arg19: memref<64x128xf32, #tpu.memory_space<vmem>>, %arg20: memref<!tpu.dma_semaphore, #tpu.memory_space<semaphore_mem>>, %arg21: memref<!tpu.dma_semaphore, #tpu.memory_space<semaphore_mem>>, %arg22: memref<!tpu.dma_semaphore, #tpu.memory_space<semaphore_mem>>, %arg23: memref<!tpu.dma_semaphore, #tpu.memory_space<semaphore_mem>>, %arg24: memref<!tpu.dma_semaphore, #tpu.memory_space<semaphore_mem>>, %arg25: memref<!tpu.dma_semaphore, #tpu.memory_space<semaphore_mem>>) attributes {dimension_semantics = [#tpu.dimension_semantics<core_parallel>, #tpu.dimension_semantics<subcore_parallel>], iteration_bounds = array<i64: 2, 16>, scalar_prefetch = 0 : i64, scratch_operands = 17 : i64, tpu.core_type = #tpu.core_type<sc_vector_subcore>, window_params = [{transform_indices = #map}, {transform_indices = #map}, {transform_indices = #map}, {transform_indices = #map1}, {transform_indices = #map1}, {transform_indices = #map}, {transform_indices = #map2}]} {
    %mul3A = arith.constant 16 : i32
    %mul3A_0 = arith.muli %arg0, %mul3A : i32
    %add3A = arith.addi %mul3A_0, %arg1 : i32
    %mul3A_1 = arith.constant 624 : i32
    %mul3A_2 = arith.muli %arg1, %mul3A_1 : i32
    "tpu.region"() ({
      %run_scoped3A = tpu.sem_alloc : memref<!tpu.dma_semaphore, #tpu.memory_space<semaphore_mem>>
      %dma_start3A = arith.constant 0 : i32
      %dma_start3A_29 = tpu.memref_slice %arg9[%mul3A_2, %dma_start3A] : memref<10000x128xf32, #tpu.memory_space<vmem_shared>> -> memref<624x128xf32, #tpu.memory_space<vmem_shared>>
      %dma_start3A_30 = arith.constant 0 : i32
      %dma_start3A_31 = tpu.memref_slice %arg7[%mul3A_2, %dma_start3A_30] : memref<10000x128xf32, #tpu.memory_space<hbm>> -> memref<624x128xf32, #tpu.memory_space<hbm>>
      tpu.enqueue_dma source(%dma_start3A_31 : memref<624x128xf32, #tpu.memory_space<hbm>>) target(%dma_start3A_29 : memref<624x128xf32, #tpu.memory_space<vmem_shared>>) target_semaphore(%run_scoped3A : memref<!tpu.dma_semaphore, #tpu.memory_space<semaphore_mem>>)
      %dma_wait3A = arith.constant 0 : i32
      %dma_wait3A_32 = tpu.memref_slice %arg9[%mul3A_2, %dma_wait3A] : memref<10000x128xf32, #tpu.memory_space<vmem_shared>> -> memref<624x128xf32, #tpu.memory_space<vmem_shared>>
      %dma_wait3A_33 = arith.constant 0 : i32
      %dma_wait3A_34 = tpu.memref_slice %arg7[%mul3A_2, %dma_wait3A_33] : memref<10000x128xf32, #tpu.memory_space<hbm>> -> memref<624x128xf32, #tpu.memory_space<hbm>>
      tpu.wait_dma2 semaphore(%run_scoped3A : memref<!tpu.dma_semaphore, #tpu.memory_space<semaphore_mem>>) src(%dma_wait3A_34 : memref<624x128xf32, #tpu.memory_space<hbm>>) dst(%dma_wait3A_32 : memref<624x128xf32, #tpu.memory_space<vmem_shared>>)
      tpu.yield
    }) : () -> ()
    %eq3A = arith.constant 0 : i32
    %eq3A_3 = arith.cmpi eq, %arg1, %eq3A : i32
    %convert_element_type3A = arith.extui %eq3A_3 : i1 to i32
    %cond3A = arith.constant 0 : i32
    %cond3A_4 = arith.cmpi ne, %convert_element_type3A, %cond3A : i32
    scf.if %cond3A_4 {
      "tpu.region"() ({
        %run_scoped3A = tpu.sem_alloc : memref<!tpu.dma_semaphore, #tpu.memory_space<semaphore_mem>>
        %dma_start3A = arith.constant 9984 : i32
        %dma_start3A_29 = arith.constant 0 : i32
        %dma_start3A_30 = tpu.memref_slice %arg9[%dma_start3A, %dma_start3A_29] : memref<10000x128xf32, #tpu.memory_space<vmem_shared>> -> memref<16x128xf32, #tpu.memory_space<vmem_shared>>
        %dma_start3A_31 = arith.constant 9984 : i32
        %dma_start3A_32 = arith.constant 0 : i32
        %dma_start3A_33 = tpu.memref_slice %arg7[%dma_start3A_31, %dma_start3A_32] : memref<10000x128xf32, #tpu.memory_space<hbm>> -> memref<16x128xf32, #tpu.memory_space<hbm>>
        tpu.enqueue_dma source(%dma_start3A_33 : memref<16x128xf32, #tpu.memory_space<hbm>>) target(%dma_start3A_30 : memref<16x128xf32, #tpu.memory_space<vmem_shared>>) target_semaphore(%run_scoped3A : memref<!tpu.dma_semaphore, #tpu.memory_space<semaphore_mem>>)
        %dma_wait3A = arith.constant 9984 : i32
        %dma_wait3A_34 = arith.constant 0 : i32
        %dma_wait3A_35 = tpu.memref_slice %arg9[%dma_wait3A, %dma_wait3A_34] : memref<10000x128xf32, #tpu.memory_space<vmem_shared>> -> memref<16x128xf32, #tpu.memory_space<vmem_shared>>
        %dma_wait3A_36 = arith.constant 9984 : i32
        %dma_wait3A_37 = arith.constant 0 : i32
        %dma_wait3A_38 = tpu.memref_slice %arg7[%dma_wait3A_36, %dma_wait3A_37] : memref<10000x128xf32, #tpu.memory_space<hbm>> -> memref<16x128xf32, #tpu.memory_space<hbm>>
        tpu.wait_dma2 semaphore(%run_scoped3A : memref<!tpu.dma_semaphore, #tpu.memory_space<semaphore_mem>>) src(%dma_wait3A_38 : memref<16x128xf32, #tpu.memory_space<hbm>>) dst(%dma_wait3A_35 : memref<16x128xf32, #tpu.memory_space<vmem_shared>>)
        tpu.yield
      }) : () -> ()
    } else {
    }
    %barrier3A = arith.constant 0 : index
    tpu.barrier barrier_id(%barrier3A)
    %add3A_5 = arith.constant 0 : i32
    %add3A_6 = arith.addi %add3A_5, %add3A : i32
    %lt3A = arith.constant 5000 : i32
    %lt3A_7 = arith.cmpi slt, %add3A_6, %lt3A : i32
    %convert_element_type3A_8 = arith.extui %lt3A_7 : i1 to i32
    %cond3A_9 = arith.constant 0 : i32
    %cond3A_10 = arith.cmpi ne, %convert_element_type3A_8, %cond3A_9 : i32
    scf.if %cond3A_10 {
      %mul3A_29 = arith.constant 64 : i32
      %mul3A_30 = arith.muli %add3A_6, %mul3A_29 : i32
      "tpu.region"() ({
        %run_scoped3A = tpu.sem_alloc : memref<!tpu.dma_semaphore, #tpu.memory_space<semaphore_mem>>
        %dma_start3A_40 = tpu.memref_slice %arg5[%mul3A_30] : memref<320000xi32, #tpu.memory_space<hbm>> -> memref<64xi32, #tpu.memory_space<hbm>>
        %dma_start3A_41 = tpu.memref_slice %arg5[%mul3A_30] : memref<320000xi32, #tpu.memory_space<hbm>> -> memref<64xi32, #tpu.memory_space<hbm>>
        tpu.enqueue_dma source(%dma_start3A_41 : memref<64xi32, #tpu.memory_space<hbm>>) target(%arg10 : memref<64xi32, #tpu.memory_space<vmem>>) target_semaphore(%run_scoped3A : memref<!tpu.dma_semaphore, #tpu.memory_space<semaphore_mem>>)
        %dma_wait3A = tpu.memref_slice %arg5[%mul3A_30] : memref<320000xi32, #tpu.memory_space<hbm>> -> memref<64xi32, #tpu.memory_space<hbm>>
        %dma_wait3A_42 = tpu.memref_slice %arg5[%mul3A_30] : memref<320000xi32, #tpu.memory_space<hbm>> -> memref<64xi32, #tpu.memory_space<hbm>>
        tpu.wait_dma2 semaphore(%run_scoped3A : memref<!tpu.dma_semaphore, #tpu.memory_space<semaphore_mem>>) src(%dma_wait3A_42 : memref<64xi32, #tpu.memory_space<hbm>>) dst(%arg10 : memref<64xi32, #tpu.memory_space<vmem>>)
        tpu.yield
      }) : () -> ()
      "tpu.region"() ({
        %run_scoped3A = tpu.sem_alloc : memref<!tpu.dma_semaphore, #tpu.memory_space<semaphore_mem>>
        %dma_start3A_40 = tpu.memref_slice %arg6[%mul3A_30] : memref<320000xi32, #tpu.memory_space<hbm>> -> memref<64xi32, #tpu.memory_space<hbm>>
        %dma_start3A_41 = tpu.memref_slice %arg6[%mul3A_30] : memref<320000xi32, #tpu.memory_space<hbm>> -> memref<64xi32, #tpu.memory_space<hbm>>
        tpu.enqueue_dma source(%dma_start3A_41 : memref<64xi32, #tpu.memory_space<hbm>>) target(%arg11 : memref<64xi32, #tpu.memory_space<vmem>>) target_semaphore(%run_scoped3A : memref<!tpu.dma_semaphore, #tpu.memory_space<semaphore_mem>>)
        %dma_wait3A = tpu.memref_slice %arg6[%mul3A_30] : memref<320000xi32, #tpu.memory_space<hbm>> -> memref<64xi32, #tpu.memory_space<hbm>>
        %dma_wait3A_42 = tpu.memref_slice %arg6[%mul3A_30] : memref<320000xi32, #tpu.memory_space<hbm>> -> memref<64xi32, #tpu.memory_space<hbm>>
        tpu.wait_dma2 semaphore(%run_scoped3A : memref<!tpu.dma_semaphore, #tpu.memory_space<semaphore_mem>>) src(%dma_wait3A_42 : memref<64xi32, #tpu.memory_space<hbm>>) dst(%arg11 : memref<64xi32, #tpu.memory_space<vmem>>)
        tpu.yield
      }) : () -> ()
      %dma_start3A = arith.constant 0 : i32
      %dma_start3A_31 = arith.constant 0 : i32
      %dma_start3A_32 = tpu.memref_slice %arg2[%dma_start3A, %dma_start3A_31] : memref<10000x128xf32, #tpu.memory_space<hbm>> -> memref<10000x128xf32, #tpu.memory_space<hbm>>
      tpu.enqueue_indirect_dma source(%dma_start3A_32 : memref<10000x128xf32, #tpu.memory_space<hbm>>) target(%arg14 : memref<64x128xf32, #tpu.memory_space<vmem>>) offsets(%arg10 : memref<64xi32, #tpu.memory_space<vmem>>) semaphore(%arg20 : memref<!tpu.dma_semaphore, #tpu.memory_space<semaphore_mem>>)
      %dma_start3A_33 = arith.constant 0 : i32
      %dma_start3A_34 = arith.constant 0 : i32
      %dma_start3A_35 = tpu.memref_slice %arg3[%dma_start3A_33, %dma_start3A_34] : memref<10000x128xf32, #tpu.memory_space<hbm>> -> memref<10000x128xf32, #tpu.memory_space<hbm>>
      tpu.enqueue_indirect_dma source(%dma_start3A_35 : memref<10000x128xf32, #tpu.memory_space<hbm>>) target(%arg15 : memref<64x128xf32, #tpu.memory_space<vmem>>) offsets(%arg11 : memref<64xi32, #tpu.memory_space<vmem>>) semaphore(%arg21 : memref<!tpu.dma_semaphore, #tpu.memory_space<semaphore_mem>>)
      %dma_start3A_36 = arith.constant 0 : i32
      %dma_start3A_37 = tpu.memref_slice %arg4[%mul3A_30, %dma_start3A_36] : memref<320000x128xf32, #tpu.memory_space<hbm>> -> memref<64x128xf32, #tpu.memory_space<hbm>>
      %dma_start3A_38 = arith.constant 0 : i32
      %dma_start3A_39 = tpu.memref_slice %arg4[%mul3A_30, %dma_start3A_38] : memref<320000x128xf32, #tpu.memory_space<hbm>> -> memref<64x128xf32, #tpu.memory_space<hbm>>
      tpu.enqueue_dma source(%dma_start3A_39 : memref<64x128xf32, #tpu.memory_space<hbm>>) target(%arg18 : memref<64x128xf32, #tpu.memory_space<vmem>>) target_semaphore(%arg24 : memref<!tpu.dma_semaphore, #tpu.memory_space<semaphore_mem>>)
    } else {
    }
    %scan3A = arith.constant 0 : i32
    %scan3A_11 = arith.constant 0 : i32
    %scan3A_12 = arith.constant 78 : i32
    %scan3A_13 = arith.addi %scan3A_11, %scan3A_12 : i32
    %scan3A_14 = arith.constant 1 : i32
    scf.for %scan3A_29 = %scan3A_11 to %scan3A_13 step %scan3A_14  : i32 {
      %mul3A_30 = arith.constant 2 : i32
      %mul3A_31 = arith.muli %mul3A_30, %scan3A_29 : i32
      %add3A_32 = arith.constant 1 : i32
      %add3A_33 = arith.addi %mul3A_31, %add3A_32 : i32
      %mul3A_34 = arith.constant 32 : i32
      %mul3A_35 = arith.muli %add3A_33, %mul3A_34 : i32
      %add3A_36 = arith.addi %mul3A_35, %add3A : i32
      %lt3A_37 = arith.constant 5000 : i32
      %lt3A_38 = arith.cmpi slt, %add3A_36, %lt3A_37 : i32
      %convert_element_type3A_39 = arith.extui %lt3A_38 : i1 to i32
      %cond3A_40 = arith.constant 0 : i32
      %cond3A_41 = arith.cmpi ne, %convert_element_type3A_39, %cond3A_40 : i32
      scf.if %cond3A_41 {
        %mul3A_70 = arith.constant 64 : i32
        %mul3A_71 = arith.muli %add3A_36, %mul3A_70 : i32
        "tpu.region"() ({
          %run_scoped3A = tpu.sem_alloc : memref<!tpu.dma_semaphore, #tpu.memory_space<semaphore_mem>>
          %dma_start3A_81 = tpu.memref_slice %arg5[%mul3A_71] : memref<320000xi32, #tpu.memory_space<hbm>> -> memref<64xi32, #tpu.memory_space<hbm>>
          %dma_start3A_82 = tpu.memref_slice %arg5[%mul3A_71] : memref<320000xi32, #tpu.memory_space<hbm>> -> memref<64xi32, #tpu.memory_space<hbm>>
          tpu.enqueue_dma source(%dma_start3A_82 : memref<64xi32, #tpu.memory_space<hbm>>) target(%arg12 : memref<64xi32, #tpu.memory_space<vmem>>) target_semaphore(%run_scoped3A : memref<!tpu.dma_semaphore, #tpu.memory_space<semaphore_mem>>)
          %dma_wait3A = tpu.memref_slice %arg5[%mul3A_71] : memref<320000xi32, #tpu.memory_space<hbm>> -> memref<64xi32, #tpu.memory_space<hbm>>
          %dma_wait3A_83 = tpu.memref_slice %arg5[%mul3A_71] : memref<320000xi32, #tpu.memory_space<hbm>> -> memref<64xi32, #tpu.memory_space<hbm>>
          tpu.wait_dma2 semaphore(%run_scoped3A : memref<!tpu.dma_semaphore, #tpu.memory_space<semaphore_mem>>) src(%dma_wait3A_83 : memref<64xi32, #tpu.memory_space<hbm>>) dst(%arg12 : memref<64xi32, #tpu.memory_space<vmem>>)
          tpu.yield
        }) : () -> ()
        "tpu.region"() ({
          %run_scoped3A = tpu.sem_alloc : memref<!tpu.dma_semaphore, #tpu.memory_space<semaphore_mem>>
          %dma_start3A_81 = tpu.memref_slice %arg6[%mul3A_71] : memref<320000xi32, #tpu.memory_space<hbm>> -> memref<64xi32, #tpu.memory_space<hbm>>
          %dma_start3A_82 = tpu.memref_slice %arg6[%mul3A_71] : memref<320000xi32, #tpu.memory_space<hbm>> -> memref<64xi32, #tpu.memory_space<hbm>>
          tpu.enqueue_dma source(%dma_start3A_82 : memref<64xi32, #tpu.memory_space<hbm>>) target(%arg13 : memref<64xi32, #tpu.memory_space<vmem>>) target_semaphore(%run_scoped3A : memref<!tpu.dma_semaphore, #tpu.memory_space<semaphore_mem>>)
          %dma_wait3A = tpu.memref_slice %arg6[%mul3A_71] : memref<320000xi32, #tpu.memory_space<hbm>> -> memref<64xi32, #tpu.memory_space<hbm>>
          %dma_wait3A_83 = tpu.memref_slice %arg6[%mul3A_71] : memref<320000xi32, #tpu.memory_space<hbm>> -> memref<64xi32, #tpu.memory_space<hbm>>
          tpu.wait_dma2 semaphore(%run_scoped3A : memref<!tpu.dma_semaphore, #tpu.memory_space<semaphore_mem>>) src(%dma_wait3A_83 : memref<64xi32, #tpu.memory_space<hbm>>) dst(%arg13 : memref<64xi32, #tpu.memory_space<vmem>>)
          tpu.yield
        }) : () -> ()
        %dma_start3A = arith.constant 0 : i32
        %dma_start3A_72 = arith.constant 0 : i32
        %dma_start3A_73 = tpu.memref_slice %arg2[%dma_start3A, %dma_start3A_72] : memref<10000x128xf32, #tpu.memory_space<hbm>> -> memref<10000x128xf32, #tpu.memory_space<hbm>>
        tpu.enqueue_indirect_dma source(%dma_start3A_73 : memref<10000x128xf32, #tpu.memory_space<hbm>>) target(%arg16 : memref<64x128xf32, #tpu.memory_space<vmem>>) offsets(%arg12 : memref<64xi32, #tpu.memory_space<vmem>>) semaphore(%arg22 : memref<!tpu.dma_semaphore, #tpu.memory_space<semaphore_mem>>)
        %dma_start3A_74 = arith.constant 0 : i32
        %dma_start3A_75 = arith.constant 0 : i32
        %dma_start3A_76 = tpu.memref_slice %arg3[%dma_start3A_74, %dma_start3A_75] : memref<10000x128xf32, #tpu.memory_space<hbm>> -> memref<10000x128xf32, #tpu.memory_space<hbm>>
        tpu.enqueue_indirect_dma source(%dma_start3A_76 : memref<10000x128xf32, #tpu.memory_space<hbm>>) target(%arg17 : memref<64x128xf32, #tpu.memory_space<vmem>>) offsets(%arg13 : memref<64xi32, #tpu.memory_space<vmem>>) semaphore(%arg23 : memref<!tpu.dma_semaphore, #tpu.memory_space<semaphore_mem>>)
        %dma_start3A_77 = arith.constant 0 : i32
        %dma_start3A_78 = tpu.memref_slice %arg4[%mul3A_71, %dma_start3A_77] : memref<320000x128xf32, #tpu.memory_space<hbm>> -> memref<64x128xf32, #tpu.memory_space<hbm>>
        %dma_start3A_79 = arith.constant 0 : i32
        %dma_start3A_80 = tpu.memref_slice %arg4[%mul3A_71, %dma_start3A_79] : memref<320000x128xf32, #tpu.memory_space<hbm>> -> memref<64x128xf32, #tpu.memory_space<hbm>>
        tpu.enqueue_dma source(%dma_start3A_80 : memref<64x128xf32, #tpu.memory_space<hbm>>) target(%arg19 : memref<64x128xf32, #tpu.memory_space<vmem>>) target_semaphore(%arg25 : memref<!tpu.dma_semaphore, #tpu.memory_space<semaphore_mem>>)
      } else {
      }
      %mul3A_42 = arith.constant 2 : i32
      %mul3A_43 = arith.muli %mul3A_42, %scan3A_29 : i32
      %mul3A_44 = arith.constant 32 : i32
      %mul3A_45 = arith.muli %mul3A_43, %mul3A_44 : i32
      %add3A_46 = arith.addi %mul3A_45, %add3A : i32
      %lt3A_47 = arith.constant 5000 : i32
      %lt3A_48 = arith.cmpi slt, %add3A_46, %lt3A_47 : i32
      %convert_element_type3A_49 = arith.extui %lt3A_48 : i1 to i32
      %cond3A_50 = arith.constant 0 : i32
      %cond3A_51 = arith.cmpi ne, %convert_element_type3A_49, %cond3A_50 : i32
      scf.if %cond3A_51 {
        %mul3A_70 = arith.constant 64 : i32
        %mul3A_71 = arith.muli %add3A_46, %mul3A_70 : i32
        %dma_wait3A = arith.constant 0 : i32
        %dma_wait3A_72 = arith.constant 0 : i32
        %dma_wait3A_73 = tpu.memref_slice %arg2[%dma_wait3A, %dma_wait3A_72] : memref<10000x128xf32, #tpu.memory_space<hbm>> -> memref<10000x128xf32, #tpu.memory_space<hbm>>
        tpu.wait_indirect_dma semaphore(%arg20 : memref<!tpu.dma_semaphore, #tpu.memory_space<semaphore_mem>>) src(%dma_wait3A_73 : memref<10000x128xf32, #tpu.memory_space<hbm>>) dst(%arg14 : memref<64x128xf32, #tpu.memory_space<vmem>>)
        %dma_wait3A_74 = arith.constant 0 : i32
        %dma_wait3A_75 = arith.constant 0 : i32
        %dma_wait3A_76 = tpu.memref_slice %arg3[%dma_wait3A_74, %dma_wait3A_75] : memref<10000x128xf32, #tpu.memory_space<hbm>> -> memref<10000x128xf32, #tpu.memory_space<hbm>>
        tpu.wait_indirect_dma semaphore(%arg21 : memref<!tpu.dma_semaphore, #tpu.memory_space<semaphore_mem>>) src(%dma_wait3A_76 : memref<10000x128xf32, #tpu.memory_space<hbm>>) dst(%arg15 : memref<64x128xf32, #tpu.memory_space<vmem>>)
        %dma_wait3A_77 = arith.constant 0 : i32
        %dma_wait3A_78 = tpu.memref_slice %arg4[%mul3A_71, %dma_wait3A_77] : memref<320000x128xf32, #tpu.memory_space<hbm>> -> memref<64x128xf32, #tpu.memory_space<hbm>>
        %dma_wait3A_79 = arith.constant 0 : i32
        %dma_wait3A_80 = tpu.memref_slice %arg4[%mul3A_71, %dma_wait3A_79] : memref<320000x128xf32, #tpu.memory_space<hbm>> -> memref<64x128xf32, #tpu.memory_space<hbm>>
        tpu.wait_dma2 semaphore(%arg24 : memref<!tpu.dma_semaphore, #tpu.memory_space<semaphore_mem>>) src(%dma_wait3A_80 : memref<64x128xf32, #tpu.memory_space<hbm>>) dst(%arg18 : memref<64x128xf32, #tpu.memory_space<vmem>>)
        %scan3A_81 = arith.constant 0 : i32
        %scan3A_82 = arith.constant 0 : i32
        %scan3A_83 = arith.constant 64 : i32
        %scan3A_84 = arith.addi %scan3A_82, %scan3A_83 : i32
        %scan3A_85 = arith.constant 1 : i32
        %scan3A_86 = scf.for %scan3A_88 = %scan3A_82 to %scan3A_84 step %scan3A_85 iter_args(%scan3A_89 = %scan3A_81) -> (i32)  : i32 {
          %get3A = arith.index_cast %scan3A_88 : i32 to index
          %get3A_90 = arith.constant 0 : index
          %get3A_91 = tpu.vector_load %arg18[%get3A, %get3A_90] {strides = array<i32>} : memref<64x128xf32, #tpu.memory_space<vmem>>, vector<1x16xf32>,
          %get3A_92 = vector.shape_cast %get3A_91 : vector<1x16xf32> to vector<16xf32>
          %get3A_93 = arith.index_cast %scan3A_88 : i32 to index
          %get3A_94 = arith.constant 0 : index
          %get3A_95 = tpu.vector_load %arg14[%get3A_93, %get3A_94] {strides = array<i32>} : memref<64x128xf32, #tpu.memory_space<vmem>>, vector<1x16xf32>,
          %get3A_96 = vector.shape_cast %get3A_95 : vector<1x16xf32> to vector<16xf32>
          %add3A_97 = arith.addf %get3A_92, %get3A_96 : vector<16xf32>
          %get3A_98 = arith.index_cast %scan3A_88 : i32 to index
          %get3A_99 = arith.constant 0 : index
          %get3A_100 = tpu.vector_load %arg15[%get3A_98, %get3A_99] {strides = array<i32>} : memref<64x128xf32, #tpu.memory_space<vmem>>, vector<1x16xf32>,
          %get3A_101 = vector.shape_cast %get3A_100 : vector<1x16xf32> to vector<16xf32>
          %add3A_102 = arith.addf %add3A_97, %get3A_101 : vector<16xf32>
          %max3A = arith.constant 0.000000e+00 : f32
          %max3A_103 = vector.broadcast %max3A : f32 to vector<16xf32>
          %max3A_104 = arith.maximumf %add3A_102, %max3A_103 : vector<16xf32>
          %swap3A = arith.index_cast %scan3A_88 : i32 to index
          %swap3A_105 = arith.constant 0 : index
          %swap3A_106 = tpu.vector_load %arg18[%swap3A, %swap3A_105] {strides = array<i32>} : memref<64x128xf32, #tpu.memory_space<vmem>>, vector<1x16xf32>,
          %swap3A_107 = vector.shape_cast %swap3A_106 : vector<1x16xf32> to vector<16xf32>
          %swap3A_108 = vector.shape_cast %max3A_104 : vector<16xf32> to vector<1x16xf32>
          tpu.vector_store %arg18[%swap3A, %swap3A_105], %swap3A_108 {strides = array<i32>} : memref<64x128xf32, #tpu.memory_space<vmem>>, vector<1x16xf32>,
          %get3A_109 = arith.index_cast %scan3A_88 : i32 to index
          %get3A_110 = arith.constant 16 : index
          %get3A_111 = tpu.vector_load %arg18[%get3A_109, %get3A_110] {strides = array<i32>} : memref<64x128xf32, #tpu.memory_space<vmem>>, vector<1x16xf32>,
          %get3A_112 = vector.shape_cast %get3A_111 : vector<1x16xf32> to vector<16xf32>
          %get3A_113 = arith.index_cast %scan3A_88 : i32 to index
          %get3A_114 = arith.constant 16 : index
          %get3A_115 = tpu.vector_load %arg14[%get3A_113, %get3A_114] {strides = array<i32>} : memref<64x128xf32, #tpu.memory_space<vmem>>, vector<1x16xf32>,
          %get3A_116 = vector.shape_cast %get3A_115 : vector<1x16xf32> to vector<16xf32>
          %add3A_117 = arith.addf %get3A_112, %get3A_116 : vector<16xf32>
          %get3A_118 = arith.index_cast %scan3A_88 : i32 to index
          %get3A_119 = arith.constant 16 : index
          %get3A_120 = tpu.vector_load %arg15[%get3A_118, %get3A_119] {strides = array<i32>} : memref<64x128xf32, #tpu.memory_space<vmem>>, vector<1x16xf32>,
          %get3A_121 = vector.shape_cast %get3A_120 : vector<1x16xf32> to vector<16xf32>
          %add3A_122 = arith.addf %add3A_117, %get3A_121 : vector<16xf32>
          %max3A_123 = arith.constant 0.000000e+00 : f32
          %max3A_124 = vector.broadcast %max3A_123 : f32 to vector<16xf32>
          %max3A_125 = arith.maximumf %add3A_122, %max3A_124 : vector<16xf32>
          %swap3A_126 = arith.index_cast %scan3A_88 : i32 to index
          %swap3A_127 = arith.constant 16 : index
          %swap3A_128 = tpu.vector_load %arg18[%swap3A_126, %swap3A_127] {strides = array<i32>} : memref<64x128xf32, #tpu.memory_space<vmem>>, vector<1x16xf32>,
          %swap3A_129 = vector.shape_cast %swap3A_128 : vector<1x16xf32> to vector<16xf32>
          %swap3A_130 = vector.shape_cast %max3A_125 : vector<16xf32> to vector<1x16xf32>
          tpu.vector_store %arg18[%swap3A_126, %swap3A_127], %swap3A_130 {strides = array<i32>} : memref<64x128xf32, #tpu.memory_space<vmem>>, vector<1x16xf32>,
          %get3A_131 = arith.index_cast %scan3A_88 : i32 to index
          %get3A_132 = arith.constant 32 : index
          %get3A_133 = tpu.vector_load %arg18[%get3A_131, %get3A_132] {strides = array<i32>} : memref<64x128xf32, #tpu.memory_space<vmem>>, vector<1x16xf32>,
          %get3A_134 = vector.shape_cast %get3A_133 : vector<1x16xf32> to vector<16xf32>
          %get3A_135 = arith.index_cast %scan3A_88 : i32 to index
          %get3A_136 = arith.constant 32 : index
          %get3A_137 = tpu.vector_load %arg14[%get3A_135, %get3A_136] {strides = array<i32>} : memref<64x128xf32, #tpu.memory_space<vmem>>, vector<1x16xf32>,
          %get3A_138 = vector.shape_cast %get3A_137 : vector<1x16xf32> to vector<16xf32>
          %add3A_139 = arith.addf %get3A_134, %get3A_138 : vector<16xf32>
          %get3A_140 = arith.index_cast %scan3A_88 : i32 to index
          %get3A_141 = arith.constant 32 : index
          %get3A_142 = tpu.vector_load %arg15[%get3A_140, %get3A_141] {strides = array<i32>} : memref<64x128xf32, #tpu.memory_space<vmem>>, vector<1x16xf32>,
          %get3A_143 = vector.shape_cast %get3A_142 : vector<1x16xf32> to vector<16xf32>
          %add3A_144 = arith.addf %add3A_139, %get3A_143 : vector<16xf32>
          %max3A_145 = arith.constant 0.000000e+00 : f32
          %max3A_146 = vector.broadcast %max3A_145 : f32 to vector<16xf32>
          %max3A_147 = arith.maximumf %add3A_144, %max3A_146 : vector<16xf32>
          %swap3A_148 = arith.index_cast %scan3A_88 : i32 to index
          %swap3A_149 = arith.constant 32 : index
          %swap3A_150 = tpu.vector_load %arg18[%swap3A_148, %swap3A_149] {strides = array<i32>} : memref<64x128xf32, #tpu.memory_space<vmem>>, vector<1x16xf32>,
          %swap3A_151 = vector.shape_cast %swap3A_150 : vector<1x16xf32> to vector<16xf32>
          %swap3A_152 = vector.shape_cast %max3A_147 : vector<16xf32> to vector<1x16xf32>
          tpu.vector_store %arg18[%swap3A_148, %swap3A_149], %swap3A_152 {strides = array<i32>} : memref<64x128xf32, #tpu.memory_space<vmem>>, vector<1x16xf32>,
          %get3A_153 = arith.index_cast %scan3A_88 : i32 to index
          %get3A_154 = arith.constant 48 : index
          %get3A_155 = tpu.vector_load %arg18[%get3A_153, %get3A_154] {strides = array<i32>} : memref<64x128xf32, #tpu.memory_space<vmem>>, vector<1x16xf32>,
          %get3A_156 = vector.shape_cast %get3A_155 : vector<1x16xf32> to vector<16xf32>
          %get3A_157 = arith.index_cast %scan3A_88 : i32 to index
          %get3A_158 = arith.constant 48 : index
          %get3A_159 = tpu.vector_load %arg14[%get3A_157, %get3A_158] {strides = array<i32>} : memref<64x128xf32, #tpu.memory_space<vmem>>, vector<1x16xf32>,
          %get3A_160 = vector.shape_cast %get3A_159 : vector<1x16xf32> to vector<16xf32>
          %add3A_161 = arith.addf %get3A_156, %get3A_160 : vector<16xf32>
          %get3A_162 = arith.index_cast %scan3A_88 : i32 to index
          %get3A_163 = arith.constant 48 : index
          %get3A_164 = tpu.vector_load %arg15[%get3A_162, %get3A_163] {strides = array<i32>} : memref<64x128xf32, #tpu.memory_space<vmem>>, vector<1x16xf32>,
          %get3A_165 = vector.shape_cast %get3A_164 : vector<1x16xf32> to vector<16xf32>
          %add3A_166 = arith.addf %add3A_161, %get3A_165 : vector<16xf32>
          %max3A_167 = arith.constant 0.000000e+00 : f32
          %max3A_168 = vector.broadcast %max3A_167 : f32 to vector<16xf32>
          %max3A_169 = arith.maximumf %add3A_166, %max3A_168 : vector<16xf32>
          %swap3A_170 = arith.index_cast %scan3A_88 : i32 to index
          %swap3A_171 = arith.constant 48 : index
          %swap3A_172 = tpu.vector_load %arg18[%swap3A_170, %swap3A_171] {strides = array<i32>} : memref<64x128xf32, #tpu.memory_space<vmem>>, vector<1x16xf32>,
          %swap3A_173 = vector.shape_cast %swap3A_172 : vector<1x16xf32> to vector<16xf32>
          %swap3A_174 = vector.shape_cast %max3A_169 : vector<16xf32> to vector<1x16xf32>
          tpu.vector_store %arg18[%swap3A_170, %swap3A_171], %swap3A_174 {strides = array<i32>} : memref<64x128xf32, #tpu.memory_space<vmem>>, vector<1x16xf32>,
          %get3A_175 = arith.index_cast %scan3A_88 : i32 to index
          %get3A_176 = arith.constant 64 : index
          %get3A_177 = tpu.vector_load %arg18[%get3A_175, %get3A_176] {strides = array<i32>} : memref<64x128xf32, #tpu.memory_space<vmem>>, vector<1x16xf32>,
          %get3A_178 = vector.shape_cast %get3A_177 : vector<1x16xf32> to vector<16xf32>
          %get3A_179 = arith.index_cast %scan3A_88 : i32 to index
          %get3A_180 = arith.constant 64 : index
          %get3A_181 = tpu.vector_load %arg14[%get3A_179, %get3A_180] {strides = array<i32>} : memref<64x128xf32, #tpu.memory_space<vmem>>, vector<1x16xf32>,
          %get3A_182 = vector.shape_cast %get3A_181 : vector<1x16xf32> to vector<16xf32>
          %add3A_183 = arith.addf %get3A_178, %get3A_182 : vector<16xf32>
          %get3A_184 = arith.index_cast %scan3A_88 : i32 to index
          %get3A_185 = arith.constant 64 : index
          %get3A_186 = tpu.vector_load %arg15[%get3A_184, %get3A_185] {strides = array<i32>} : memref<64x128xf32, #tpu.memory_space<vmem>>, vector<1x16xf32>,
          %get3A_187 = vector.shape_cast %get3A_186 : vector<1x16xf32> to vector<16xf32>
          %add3A_188 = arith.addf %add3A_183, %get3A_187 : vector<16xf32>
          %max3A_189 = arith.constant 0.000000e+00 : f32
          %max3A_190 = vector.broadcast %max3A_189 : f32 to vector<16xf32>
          %max3A_191 = arith.maximumf %add3A_188, %max3A_190 : vector<16xf32>
          %swap3A_192 = arith.index_cast %scan3A_88 : i32 to index
          %swap3A_193 = arith.constant 64 : index
          %swap3A_194 = tpu.vector_load %arg18[%swap3A_192, %swap3A_193] {strides = array<i32>} : memref<64x128xf32, #tpu.memory_space<vmem>>, vector<1x16xf32>,
          %swap3A_195 = vector.shape_cast %swap3A_194 : vector<1x16xf32> to vector<16xf32>
          %swap3A_196 = vector.shape_cast %max3A_191 : vector<16xf32> to vector<1x16xf32>
          tpu.vector_store %arg18[%swap3A_192, %swap3A_193], %swap3A_196 {strides = array<i32>} : memref<64x128xf32, #tpu.memory_space<vmem>>, vector<1x16xf32>,
          %get3A_197 = arith.index_cast %scan3A_88 : i32 to index
          %get3A_198 = arith.constant 80 : index
          %get3A_199 = tpu.vector_load %arg18[%get3A_197, %get3A_198] {strides = array<i32>} : memref<64x128xf32, #tpu.memory_space<vmem>>, vector<1x16xf32>,
          %get3A_200 = vector.shape_cast %get3A_199 : vector<1x16xf32> to vector<16xf32>
          %get3A_201 = arith.index_cast %scan3A_88 : i32 to index
          %get3A_202 = arith.constant 80 : index
          %get3A_203 = tpu.vector_load %arg14[%get3A_201, %get3A_202] {strides = array<i32>} : memref<64x128xf32, #tpu.memory_space<vmem>>, vector<1x16xf32>,
          %get3A_204 = vector.shape_cast %get3A_203 : vector<1x16xf32> to vector<16xf32>
          %add3A_205 = arith.addf %get3A_200, %get3A_204 : vector<16xf32>
          %get3A_206 = arith.index_cast %scan3A_88 : i32 to index
          %get3A_207 = arith.constant 80 : index
          %get3A_208 = tpu.vector_load %arg15[%get3A_206, %get3A_207] {strides = array<i32>} : memref<64x128xf32, #tpu.memory_space<vmem>>, vector<1x16xf32>,
          %get3A_209 = vector.shape_cast %get3A_208 : vector<1x16xf32> to vector<16xf32>
          %add3A_210 = arith.addf %add3A_205, %get3A_209 : vector<16xf32>
          %max3A_211 = arith.constant 0.000000e+00 : f32
          %max3A_212 = vector.broadcast %max3A_211 : f32 to vector<16xf32>
          %max3A_213 = arith.maximumf %add3A_210, %max3A_212 : vector<16xf32>
          %swap3A_214 = arith.index_cast %scan3A_88 : i32 to index
          %swap3A_215 = arith.constant 80 : index
          %swap3A_216 = tpu.vector_load %arg18[%swap3A_214, %swap3A_215] {strides = array<i32>} : memref<64x128xf32, #tpu.memory_space<vmem>>, vector<1x16xf32>,
          %swap3A_217 = vector.shape_cast %swap3A_216 : vector<1x16xf32> to vector<16xf32>
          %swap3A_218 = vector.shape_cast %max3A_213 : vector<16xf32> to vector<1x16xf32>
          tpu.vector_store %arg18[%swap3A_214, %swap3A_215], %swap3A_218 {strides = array<i32>} : memref<64x128xf32, #tpu.memory_space<vmem>>, vector<1x16xf32>,
          %get3A_219 = arith.index_cast %scan3A_88 : i32 to index
          %get3A_220 = arith.constant 96 : index
          %get3A_221 = tpu.vector_load %arg18[%get3A_219, %get3A_220] {strides = array<i32>} : memref<64x128xf32, #tpu.memory_space<vmem>>, vector<1x16xf32>,
          %get3A_222 = vector.shape_cast %get3A_221 : vector<1x16xf32> to vector<16xf32>
          %get3A_223 = arith.index_cast %scan3A_88 : i32 to index
          %get3A_224 = arith.constant 96 : index
          %get3A_225 = tpu.vector_load %arg14[%get3A_223, %get3A_224] {strides = array<i32>} : memref<64x128xf32, #tpu.memory_space<vmem>>, vector<1x16xf32>,
          %get3A_226 = vector.shape_cast %get3A_225 : vector<1x16xf32> to vector<16xf32>
          %add3A_227 = arith.addf %get3A_222, %get3A_226 : vector<16xf32>
          %get3A_228 = arith.index_cast %scan3A_88 : i32 to index
          %get3A_229 = arith.constant 96 : index
          %get3A_230 = tpu.vector_load %arg15[%get3A_228, %get3A_229] {strides = array<i32>} : memref<64x128xf32, #tpu.memory_space<vmem>>, vector<1x16xf32>,
          %get3A_231 = vector.shape_cast %get3A_230 : vector<1x16xf32> to vector<16xf32>
          %add3A_232 = arith.addf %add3A_227, %get3A_231 : vector<16xf32>
          %max3A_233 = arith.constant 0.000000e+00 : f32
          %max3A_234 = vector.broadcast %max3A_233 : f32 to vector<16xf32>
          %max3A_235 = arith.maximumf %add3A_232, %max3A_234 : vector<16xf32>
          %swap3A_236 = arith.index_cast %scan3A_88 : i32 to index
          %swap3A_237 = arith.constant 96 : index
          %swap3A_238 = tpu.vector_load %arg18[%swap3A_236, %swap3A_237] {strides = array<i32>} : memref<64x128xf32, #tpu.memory_space<vmem>>, vector<1x16xf32>,
          %swap3A_239 = vector.shape_cast %swap3A_238 : vector<1x16xf32> to vector<16xf32>
          %swap3A_240 = vector.shape_cast %max3A_235 : vector<16xf32> to vector<1x16xf32>
          tpu.vector_store %arg18[%swap3A_236, %swap3A_237], %swap3A_240 {strides = array<i32>} : memref<64x128xf32, #tpu.memory_space<vmem>>, vector<1x16xf32>,
          %get3A_241 = arith.index_cast %scan3A_88 : i32 to index
          %get3A_242 = arith.constant 112 : index
          %get3A_243 = tpu.vector_load %arg18[%get3A_241, %get3A_242] {strides = array<i32>} : memref<64x128xf32, #tpu.memory_space<vmem>>, vector<1x16xf32>,
          %get3A_244 = vector.shape_cast %get3A_243 : vector<1x16xf32> to vector<16xf32>
          %get3A_245 = arith.index_cast %scan3A_88 : i32 to index
          %get3A_246 = arith.constant 112 : index
          %get3A_247 = tpu.vector_load %arg14[%get3A_245, %get3A_246] {strides = array<i32>} : memref<64x128xf32, #tpu.memory_space<vmem>>, vector<1x16xf32>,
          %get3A_248 = vector.shape_cast %get3A_247 : vector<1x16xf32> to vector<16xf32>
          %add3A_249 = arith.addf %get3A_244, %get3A_248 : vector<16xf32>
          %get3A_250 = arith.index_cast %scan3A_88 : i32 to index
          %get3A_251 = arith.constant 112 : index
          %get3A_252 = tpu.vector_load %arg15[%get3A_250, %get3A_251] {strides = array<i32>} : memref<64x128xf32, #tpu.memory_space<vmem>>, vector<1x16xf32>,
          %get3A_253 = vector.shape_cast %get3A_252 : vector<1x16xf32> to vector<16xf32>
          %add3A_254 = arith.addf %add3A_249, %get3A_253 : vector<16xf32>
          %max3A_255 = arith.constant 0.000000e+00 : f32
          %max3A_256 = vector.broadcast %max3A_255 : f32 to vector<16xf32>
          %max3A_257 = arith.maximumf %add3A_254, %max3A_256 : vector<16xf32>
          %swap3A_258 = arith.index_cast %scan3A_88 : i32 to index
          %swap3A_259 = arith.constant 112 : index
          %swap3A_260 = tpu.vector_load %arg18[%swap3A_258, %swap3A_259] {strides = array<i32>} : memref<64x128xf32, #tpu.memory_space<vmem>>, vector<1x16xf32>,
          %swap3A_261 = vector.shape_cast %swap3A_260 : vector<1x16xf32> to vector<16xf32>
          %swap3A_262 = vector.shape_cast %max3A_257 : vector<16xf32> to vector<1x16xf32>
          tpu.vector_store %arg18[%swap3A_258, %swap3A_259], %swap3A_262 {strides = array<i32>} : memref<64x128xf32, #tpu.memory_space<vmem>>, vector<1x16xf32>,
          %scan3A_263 = arith.constant 0 : i32
          scf.yield %scan3A_263 : i32
        }
        %scan3A_87 = arith.constant 64 : i32
        "tpu.region"() ({
          %run_scoped3A = tpu.sem_alloc : memref<!tpu.dma_semaphore, #tpu.memory_space<semaphore_mem>>
          %dma_start3A = arith.constant 0 : i32
          %dma_start3A_88 = arith.constant 0 : i32
          %dma_start3A_89 = tpu.memref_slice %arg9[%dma_start3A, %dma_start3A_88] : memref<10000x128xf32, #tpu.memory_space<vmem_shared>> -> memref<10000x128xf32, #tpu.memory_space<vmem_shared>>
          tpu.enqueue_indirect_dma source(%arg18 : memref<64x128xf32, #tpu.memory_space<vmem>>) target(%dma_start3A_89 : memref<10000x128xf32, #tpu.memory_space<vmem_shared>>) offsets(%arg11 : memref<64xi32, #tpu.memory_space<vmem>>) semaphore(%run_scoped3A : memref<!tpu.dma_semaphore, #tpu.memory_space<semaphore_mem>>) {add = true}
          %dma_wait3A_90 = arith.constant 0 : i32
          %dma_wait3A_91 = arith.constant 0 : i32
          %dma_wait3A_92 = tpu.memref_slice %arg9[%dma_wait3A_90, %dma_wait3A_91] : memref<10000x128xf32, #tpu.memory_space<vmem_shared>> -> memref<10000x128xf32, #tpu.memory_space<vmem_shared>>
          tpu.wait_indirect_dma semaphore(%run_scoped3A : memref<!tpu.dma_semaphore, #tpu.memory_space<semaphore_mem>>) src(%arg18 : memref<64x128xf32, #tpu.memory_space<vmem>>) dst(%dma_wait3A_92 : memref<10000x128xf32, #tpu.memory_space<vmem_shared>>)
          tpu.yield
        }) : () -> ()
      } else {
      }
      %add3A_52 = arith.constant 1 : i32
      %add3A_53 = arith.addi %add3A_33, %add3A_52 : i32
      %mul3A_54 = arith.constant 32 : i32
      %mul3A_55 = arith.muli %add3A_53, %mul3A_54 : i32
      %add3A_56 = arith.addi %mul3A_55, %add3A : i32
      %lt3A_57 = arith.constant 5000 : i32
      %lt3A_58 = arith.cmpi slt, %add3A_56, %lt3A_57 : i32
      %convert_element_type3A_59 = arith.extui %lt3A_58 : i1 to i32
      %cond3A_60 = arith.constant 0 : i32
      %cond3A_61 = arith.cmpi ne, %convert_element_type3A_59, %cond3A_60 : i32
      scf.if %cond3A_61 {
        %mul3A_70 = arith.constant 64 : i32
        %mul3A_71 = arith.muli %add3A_56, %mul3A_70 : i32
        "tpu.region"() ({
          %run_scoped3A = tpu.sem_alloc : memref<!tpu.dma_semaphore, #tpu.memory_space<semaphore_mem>>
          %dma_start3A_81 = tpu.memref_slice %arg5[%mul3A_71] : memref<320000xi32, #tpu.memory_space<hbm>> -> memref<64xi32, #tpu.memory_space<hbm>>
          %dma_start3A_82 = tpu.memref_slice %arg5[%mul3A_71] : memref<320000xi32, #tpu.memory_space<hbm>> -> memref<64xi32, #tpu.memory_space<hbm>>
          tpu.enqueue_dma source(%dma_start3A_82 : memref<64xi32, #tpu.memory_space<hbm>>) target(%arg10 : memref<64xi32, #tpu.memory_space<vmem>>) target_semaphore(%run_scoped3A : memref<!tpu.dma_semaphore, #tpu.memory_space<semaphore_mem>>)
          %dma_wait3A = tpu.memref_slice %arg5[%mul3A_71] : memref<320000xi32, #tpu.memory_space<hbm>> -> memref<64xi32, #tpu.memory_space<hbm>>
          %dma_wait3A_83 = tpu.memref_slice %arg5[%mul3A_71] : memref<320000xi32, #tpu.memory_space<hbm>> -> memref<64xi32, #tpu.memory_space<hbm>>
          tpu.wait_dma2 semaphore(%run_scoped3A : memref<!tpu.dma_semaphore, #tpu.memory_space<semaphore_mem>>) src(%dma_wait3A_83 : memref<64xi32, #tpu.memory_space<hbm>>) dst(%arg10 : memref<64xi32, #tpu.memory_space<vmem>>)
          tpu.yield
        }) : () -> ()
        "tpu.region"() ({
          %run_scoped3A = tpu.sem_alloc : memref<!tpu.dma_semaphore, #tpu.memory_space<semaphore_mem>>
          %dma_start3A_81 = tpu.memref_slice %arg6[%mul3A_71] : memref<320000xi32, #tpu.memory_space<hbm>> -> memref<64xi32, #tpu.memory_space<hbm>>
          %dma_start3A_82 = tpu.memref_slice %arg6[%mul3A_71] : memref<320000xi32, #tpu.memory_space<hbm>> -> memref<64xi32, #tpu.memory_space<hbm>>
          tpu.enqueue_dma source(%dma_start3A_82 : memref<64xi32, #tpu.memory_space<hbm>>) target(%arg11 : memref<64xi32, #tpu.memory_space<vmem>>) target_semaphore(%run_scoped3A : memref<!tpu.dma_semaphore, #tpu.memory_space<semaphore_mem>>)
          %dma_wait3A = tpu.memref_slice %arg6[%mul3A_71] : memref<320000xi32, #tpu.memory_space<hbm>> -> memref<64xi32, #tpu.memory_space<hbm>>
          %dma_wait3A_83 = tpu.memref_slice %arg6[%mul3A_71] : memref<320000xi32, #tpu.memory_space<hbm>> -> memref<64xi32, #tpu.memory_space<hbm>>
          tpu.wait_dma2 semaphore(%run_scoped3A : memref<!tpu.dma_semaphore, #tpu.memory_space<semaphore_mem>>) src(%dma_wait3A_83 : memref<64xi32, #tpu.memory_space<hbm>>) dst(%arg11 : memref<64xi32, #tpu.memory_space<vmem>>)
          tpu.yield
        }) : () -> ()
        %dma_start3A = arith.constant 0 : i32
        %dma_start3A_72 = arith.constant 0 : i32
        %dma_start3A_73 = tpu.memref_slice %arg2[%dma_start3A, %dma_start3A_72] : memref<10000x128xf32, #tpu.memory_space<hbm>> -> memref<10000x128xf32, #tpu.memory_space<hbm>>
        tpu.enqueue_indirect_dma source(%dma_start3A_73 : memref<10000x128xf32, #tpu.memory_space<hbm>>) target(%arg14 : memref<64x128xf32, #tpu.memory_space<vmem>>) offsets(%arg10 : memref<64xi32, #tpu.memory_space<vmem>>) semaphore(%arg20 : memref<!tpu.dma_semaphore, #tpu.memory_space<semaphore_mem>>)
        %dma_start3A_74 = arith.constant 0 : i32
        %dma_start3A_75 = arith.constant 0 : i32
        %dma_start3A_76 = tpu.memref_slice %arg3[%dma_start3A_74, %dma_start3A_75] : memref<10000x128xf32, #tpu.memory_space<hbm>> -> memref<10000x128xf32, #tpu.memory_space<hbm>>
        tpu.enqueue_indirect_dma source(%dma_start3A_76 : memref<10000x128xf32, #tpu.memory_space<hbm>>) target(%arg15 : memref<64x128xf32, #tpu.memory_space<vmem>>) offsets(%arg11 : memref<64xi32, #tpu.memory_space<vmem>>) semaphore(%arg21 : memref<!tpu.dma_semaphore, #tpu.memory_space<semaphore_mem>>)
        %dma_start3A_77 = arith.constant 0 : i32
        %dma_start3A_78 = tpu.memref_slice %arg4[%mul3A_71, %dma_start3A_77] : memref<320000x128xf32, #tpu.memory_space<hbm>> -> memref<64x128xf32, #tpu.memory_space<hbm>>
        %dma_start3A_79 = arith.constant 0 : i32
        %dma_start3A_80 = tpu.memref_slice %arg4[%mul3A_71, %dma_start3A_79] : memref<320000x128xf32, #tpu.memory_space<hbm>> -> memref<64x128xf32, #tpu.memory_space<hbm>>
        tpu.enqueue_dma source(%dma_start3A_80 : memref<64x128xf32, #tpu.memory_space<hbm>>) target(%arg18 : memref<64x128xf32, #tpu.memory_space<vmem>>) target_semaphore(%arg24 : memref<!tpu.dma_semaphore, #tpu.memory_space<semaphore_mem>>)
      } else {
      }
      %mul3A_62 = arith.constant 32 : i32
      %mul3A_63 = arith.muli %add3A_33, %mul3A_62 : i32
      %add3A_64 = arith.addi %mul3A_63, %add3A : i32
      %lt3A_65 = arith.constant 5000 : i32
      %lt3A_66 = arith.cmpi slt, %add3A_64, %lt3A_65 : i32
      %convert_element_type3A_67 = arith.extui %lt3A_66 : i1 to i32
      %cond3A_68 = arith.constant 0 : i32
      %cond3A_69 = arith.cmpi ne, %convert_element_type3A_67, %cond3A_68 : i32
      scf.if %cond3A_69 {
        %mul3A_70 = arith.constant 64 : i32
        %mul3A_71 = arith.muli %add3A_64, %mul3A_70 : i32
        %dma_wait3A = arith.constant 0 : i32
        %dma_wait3A_72 = arith.constant 0 : i32
        %dma_wait3A_73 = tpu.memref_slice %arg2[%dma_wait3A, %dma_wait3A_72] : memref<10000x128xf32, #tpu.memory_space<hbm>> -> memref<10000x128xf32, #tpu.memory_space<hbm>>
        tpu.wait_indirect_dma semaphore(%arg22 : memref<!tpu.dma_semaphore, #tpu.memory_space<semaphore_mem>>) src(%dma_wait3A_73 : memref<10000x128xf32, #tpu.memory_space<hbm>>) dst(%arg16 : memref<64x128xf32, #tpu.memory_space<vmem>>)
        %dma_wait3A_74 = arith.constant 0 : i32
        %dma_wait3A_75 = arith.constant 0 : i32
        %dma_wait3A_76 = tpu.memref_slice %arg3[%dma_wait3A_74, %dma_wait3A_75] : memref<10000x128xf32, #tpu.memory_space<hbm>> -> memref<10000x128xf32, #tpu.memory_space<hbm>>
        tpu.wait_indirect_dma semaphore(%arg23 : memref<!tpu.dma_semaphore, #tpu.memory_space<semaphore_mem>>) src(%dma_wait3A_76 : memref<10000x128xf32, #tpu.memory_space<hbm>>) dst(%arg17 : memref<64x128xf32, #tpu.memory_space<vmem>>)
        %dma_wait3A_77 = arith.constant 0 : i32
        %dma_wait3A_78 = tpu.memref_slice %arg4[%mul3A_71, %dma_wait3A_77] : memref<320000x128xf32, #tpu.memory_space<hbm>> -> memref<64x128xf32, #tpu.memory_space<hbm>>
        %dma_wait3A_79 = arith.constant 0 : i32
        %dma_wait3A_80 = tpu.memref_slice %arg4[%mul3A_71, %dma_wait3A_79] : memref<320000x128xf32, #tpu.memory_space<hbm>> -> memref<64x128xf32, #tpu.memory_space<hbm>>
        tpu.wait_dma2 semaphore(%arg25 : memref<!tpu.dma_semaphore, #tpu.memory_space<semaphore_mem>>) src(%dma_wait3A_80 : memref<64x128xf32, #tpu.memory_space<hbm>>) dst(%arg19 : memref<64x128xf32, #tpu.memory_space<vmem>>)
        %scan3A_81 = arith.constant 0 : i32
        %scan3A_82 = arith.constant 0 : i32
        %scan3A_83 = arith.constant 64 : i32
        %scan3A_84 = arith.addi %scan3A_82, %scan3A_83 : i32
        %scan3A_85 = arith.constant 1 : i32
        %scan3A_86 = scf.for %scan3A_88 = %scan3A_82 to %scan3A_84 step %scan3A_85 iter_args(%scan3A_89 = %scan3A_81) -> (i32)  : i32 {
          %get3A = arith.index_cast %scan3A_88 : i32 to index
          %get3A_90 = arith.constant 0 : index
          %get3A_91 = tpu.vector_load %arg19[%get3A, %get3A_90] {strides = array<i32>} : memref<64x128xf32, #tpu.memory_space<vmem>>, vector<1x16xf32>,
          %get3A_92 = vector.shape_cast %get3A_91 : vector<1x16xf32> to vector<16xf32>
          %get3A_93 = arith.index_cast %scan3A_88 : i32 to index
          %get3A_94 = arith.constant 0 : index
          %get3A_95 = tpu.vector_load %arg16[%get3A_93, %get3A_94] {strides = array<i32>} : memref<64x128xf32, #tpu.memory_space<vmem>>, vector<1x16xf32>,
          %get3A_96 = vector.shape_cast %get3A_95 : vector<1x16xf32> to vector<16xf32>
          %add3A_97 = arith.addf %get3A_92, %get3A_96 : vector<16xf32>
          %get3A_98 = arith.index_cast %scan3A_88 : i32 to index
          %get3A_99 = arith.constant 0 : index
          %get3A_100 = tpu.vector_load %arg17[%get3A_98, %get3A_99] {strides = array<i32>} : memref<64x128xf32, #tpu.memory_space<vmem>>, vector<1x16xf32>,
          %get3A_101 = vector.shape_cast %get3A_100 : vector<1x16xf32> to vector<16xf32>
          %add3A_102 = arith.addf %add3A_97, %get3A_101 : vector<16xf32>
          %max3A = arith.constant 0.000000e+00 : f32
          %max3A_103 = vector.broadcast %max3A : f32 to vector<16xf32>
          %max3A_104 = arith.maximumf %add3A_102, %max3A_103 : vector<16xf32>
          %swap3A = arith.index_cast %scan3A_88 : i32 to index
          %swap3A_105 = arith.constant 0 : index
          %swap3A_106 = tpu.vector_load %arg19[%swap3A, %swap3A_105] {strides = array<i32>} : memref<64x128xf32, #tpu.memory_space<vmem>>, vector<1x16xf32>,
          %swap3A_107 = vector.shape_cast %swap3A_106 : vector<1x16xf32> to vector<16xf32>
          %swap3A_108 = vector.shape_cast %max3A_104 : vector<16xf32> to vector<1x16xf32>
          tpu.vector_store %arg19[%swap3A, %swap3A_105], %swap3A_108 {strides = array<i32>} : memref<64x128xf32, #tpu.memory_space<vmem>>, vector<1x16xf32>,
          %get3A_109 = arith.index_cast %scan3A_88 : i32 to index
          %get3A_110 = arith.constant 16 : index
          %get3A_111 = tpu.vector_load %arg19[%get3A_109, %get3A_110] {strides = array<i32>} : memref<64x128xf32, #tpu.memory_space<vmem>>, vector<1x16xf32>,
          %get3A_112 = vector.shape_cast %get3A_111 : vector<1x16xf32> to vector<16xf32>
          %get3A_113 = arith.index_cast %scan3A_88 : i32 to index
          %get3A_114 = arith.constant 16 : index
          %get3A_115 = tpu.vector_load %arg16[%get3A_113, %get3A_114] {strides = array<i32>} : memref<64x128xf32, #tpu.memory_space<vmem>>, vector<1x16xf32>,
          %get3A_116 = vector.shape_cast %get3A_115 : vector<1x16xf32> to vector<16xf32>
          %add3A_117 = arith.addf %get3A_112, %get3A_116 : vector<16xf32>
          %get3A_118 = arith.index_cast %scan3A_88 : i32 to index
          %get3A_119 = arith.constant 16 : index
          %get3A_120 = tpu.vector_load %arg17[%get3A_118, %get3A_119] {strides = array<i32>} : memref<64x128xf32, #tpu.memory_space<vmem>>, vector<1x16xf32>,
          %get3A_121 = vector.shape_cast %get3A_120 : vector<1x16xf32> to vector<16xf32>
          %add3A_122 = arith.addf %add3A_117, %get3A_121 : vector<16xf32>
          %max3A_123 = arith.constant 0.000000e+00 : f32
          %max3A_124 = vector.broadcast %max3A_123 : f32 to vector<16xf32>
          %max3A_125 = arith.maximumf %add3A_122, %max3A_124 : vector<16xf32>
          %swap3A_126 = arith.index_cast %scan3A_88 : i32 to index
          %swap3A_127 = arith.constant 16 : index
          %swap3A_128 = tpu.vector_load %arg19[%swap3A_126, %swap3A_127] {strides = array<i32>} : memref<64x128xf32, #tpu.memory_space<vmem>>, vector<1x16xf32>,
          %swap3A_129 = vector.shape_cast %swap3A_128 : vector<1x16xf32> to vector<16xf32>
          %swap3A_130 = vector.shape_cast %max3A_125 : vector<16xf32> to vector<1x16xf32>
          tpu.vector_store %arg19[%swap3A_126, %swap3A_127], %swap3A_130 {strides = array<i32>} : memref<64x128xf32, #tpu.memory_space<vmem>>, vector<1x16xf32>,
          %get3A_131 = arith.index_cast %scan3A_88 : i32 to index
          %get3A_132 = arith.constant 32 : index
          %get3A_133 = tpu.vector_load %arg19[%get3A_131, %get3A_132] {strides = array<i32>} : memref<64x128xf32, #tpu.memory_space<vmem>>, vector<1x16xf32>,
          %get3A_134 = vector.shape_cast %get3A_133 : vector<1x16xf32> to vector<16xf32>
          %get3A_135 = arith.index_cast %scan3A_88 : i32 to index
          %get3A_136 = arith.constant 32 : index
          %get3A_137 = tpu.vector_load %arg16[%get3A_135, %get3A_136] {strides = array<i32>} : memref<64x128xf32, #tpu.memory_space<vmem>>, vector<1x16xf32>,
          %get3A_138 = vector.shape_cast %get3A_137 : vector<1x16xf32> to vector<16xf32>
          %add3A_139 = arith.addf %get3A_134, %get3A_138 : vector<16xf32>
          %get3A_140 = arith.index_cast %scan3A_88 : i32 to index
          %get3A_141 = arith.constant 32 : index
          %get3A_142 = tpu.vector_load %arg17[%get3A_140, %get3A_141] {strides = array<i32>} : memref<64x128xf32, #tpu.memory_space<vmem>>, vector<1x16xf32>,
          %get3A_143 = vector.shape_cast %get3A_142 : vector<1x16xf32> to vector<16xf32>
          %add3A_144 = arith.addf %add3A_139, %get3A_143 : vector<16xf32>
          %max3A_145 = arith.constant 0.000000e+00 : f32
          %max3A_146 = vector.broadcast %max3A_145 : f32 to vector<16xf32>
          %max3A_147 = arith.maximumf %add3A_144, %max3A_146 : vector<16xf32>
          %swap3A_148 = arith.index_cast %scan3A_88 : i32 to index
          %swap3A_149 = arith.constant 32 : index
          %swap3A_150 = tpu.vector_load %arg19[%swap3A_148, %swap3A_149] {strides = array<i32>} : memref<64x128xf32, #tpu.memory_space<vmem>>, vector<1x16xf32>,
          %swap3A_151 = vector.shape_cast %swap3A_150 : vector<1x16xf32> to vector<16xf32>
          %swap3A_152 = vector.shape_cast %max3A_147 : vector<16xf32> to vector<1x16xf32>
          tpu.vector_store %arg19[%swap3A_148, %swap3A_149], %swap3A_152 {strides = array<i32>} : memref<64x128xf32, #tpu.memory_space<vmem>>, vector<1x16xf32>,
          %get3A_153 = arith.index_cast %scan3A_88 : i32 to index
          %get3A_154 = arith.constant 48 : index
          %get3A_155 = tpu.vector_load %arg19[%get3A_153, %get3A_154] {strides = array<i32>} : memref<64x128xf32, #tpu.memory_space<vmem>>, vector<1x16xf32>,
          %get3A_156 = vector.shape_cast %get3A_155 : vector<1x16xf32> to vector<16xf32>
          %get3A_157 = arith.index_cast %scan3A_88 : i32 to index
          %get3A_158 = arith.constant 48 : index
          %get3A_159 = tpu.vector_load %arg16[%get3A_157, %get3A_158] {strides = array<i32>} : memref<64x128xf32, #tpu.memory_space<vmem>>, vector<1x16xf32>,
          %get3A_160 = vector.shape_cast %get3A_159 : vector<1x16xf32> to vector<16xf32>
          %add3A_161 = arith.addf %get3A_156, %get3A_160 : vector<16xf32>
          %get3A_162 = arith.index_cast %scan3A_88 : i32 to index
          %get3A_163 = arith.constant 48 : index
          %get3A_164 = tpu.vector_load %arg17[%get3A_162, %get3A_163] {strides = array<i32>} : memref<64x128xf32, #tpu.memory_space<vmem>>, vector<1x16xf32>,
          %get3A_165 = vector.shape_cast %get3A_164 : vector<1x16xf32> to vector<16xf32>
          %add3A_166 = arith.addf %add3A_161, %get3A_165 : vector<16xf32>
          %max3A_167 = arith.constant 0.000000e+00 : f32
          %max3A_168 = vector.broadcast %max3A_167 : f32 to vector<16xf32>
          %max3A_169 = arith.maximumf %add3A_166, %max3A_168 : vector<16xf32>
          %swap3A_170 = arith.index_cast %scan3A_88 : i32 to index
          %swap3A_171 = arith.constant 48 : index
          %swap3A_172 = tpu.vector_load %arg19[%swap3A_170, %swap3A_171] {strides = array<i32>} : memref<64x128xf32, #tpu.memory_space<vmem>>, vector<1x16xf32>,
          %swap3A_173 = vector.shape_cast %swap3A_172 : vector<1x16xf32> to vector<16xf32>
          %swap3A_174 = vector.shape_cast %max3A_169 : vector<16xf32> to vector<1x16xf32>
          tpu.vector_store %arg19[%swap3A_170, %swap3A_171], %swap3A_174 {strides = array<i32>} : memref<64x128xf32, #tpu.memory_space<vmem>>, vector<1x16xf32>,
          %get3A_175 = arith.index_cast %scan3A_88 : i32 to index
          %get3A_176 = arith.constant 64 : index
          %get3A_177 = tpu.vector_load %arg19[%get3A_175, %get3A_176] {strides = array<i32>} : memref<64x128xf32, #tpu.memory_space<vmem>>, vector<1x16xf32>,
          %get3A_178 = vector.shape_cast %get3A_177 : vector<1x16xf32> to vector<16xf32>
          %get3A_179 = arith.index_cast %scan3A_88 : i32 to index
          %get3A_180 = arith.constant 64 : index
          %get3A_181 = tpu.vector_load %arg16[%get3A_179, %get3A_180] {strides = array<i32>} : memref<64x128xf32, #tpu.memory_space<vmem>>, vector<1x16xf32>,
          %get3A_182 = vector.shape_cast %get3A_181 : vector<1x16xf32> to vector<16xf32>
          %add3A_183 = arith.addf %get3A_178, %get3A_182 : vector<16xf32>
          %get3A_184 = arith.index_cast %scan3A_88 : i32 to index
          %get3A_185 = arith.constant 64 : index
          %get3A_186 = tpu.vector_load %arg17[%get3A_184, %get3A_185] {strides = array<i32>} : memref<64x128xf32, #tpu.memory_space<vmem>>, vector<1x16xf32>,
          %get3A_187 = vector.shape_cast %get3A_186 : vector<1x16xf32> to vector<16xf32>
          %add3A_188 = arith.addf %add3A_183, %get3A_187 : vector<16xf32>
          %max3A_189 = arith.constant 0.000000e+00 : f32
          %max3A_190 = vector.broadcast %max3A_189 : f32 to vector<16xf32>
          %max3A_191 = arith.maximumf %add3A_188, %max3A_190 : vector<16xf32>
          %swap3A_192 = arith.index_cast %scan3A_88 : i32 to index
          %swap3A_193 = arith.constant 64 : index
          %swap3A_194 = tpu.vector_load %arg19[%swap3A_192, %swap3A_193] {strides = array<i32>} : memref<64x128xf32, #tpu.memory_space<vmem>>, vector<1x16xf32>,
          %swap3A_195 = vector.shape_cast %swap3A_194 : vector<1x16xf32> to vector<16xf32>
          %swap3A_196 = vector.shape_cast %max3A_191 : vector<16xf32> to vector<1x16xf32>
          tpu.vector_store %arg19[%swap3A_192, %swap3A_193], %swap3A_196 {strides = array<i32>} : memref<64x128xf32, #tpu.memory_space<vmem>>, vector<1x16xf32>,
          %get3A_197 = arith.index_cast %scan3A_88 : i32 to index
          %get3A_198 = arith.constant 80 : index
          %get3A_199 = tpu.vector_load %arg19[%get3A_197, %get3A_198] {strides = array<i32>} : memref<64x128xf32, #tpu.memory_space<vmem>>, vector<1x16xf32>,
          %get3A_200 = vector.shape_cast %get3A_199 : vector<1x16xf32> to vector<16xf32>
          %get3A_201 = arith.index_cast %scan3A_88 : i32 to index
          %get3A_202 = arith.constant 80 : index
          %get3A_203 = tpu.vector_load %arg16[%get3A_201, %get3A_202] {strides = array<i32>} : memref<64x128xf32, #tpu.memory_space<vmem>>, vector<1x16xf32>,
          %get3A_204 = vector.shape_cast %get3A_203 : vector<1x16xf32> to vector<16xf32>
          %add3A_205 = arith.addf %get3A_200, %get3A_204 : vector<16xf32>
          %get3A_206 = arith.index_cast %scan3A_88 : i32 to index
          %get3A_207 = arith.constant 80 : index
          %get3A_208 = tpu.vector_load %arg17[%get3A_206, %get3A_207] {strides = array<i32>} : memref<64x128xf32, #tpu.memory_space<vmem>>, vector<1x16xf32>,
          %get3A_209 = vector.shape_cast %get3A_208 : vector<1x16xf32> to vector<16xf32>
          %add3A_210 = arith.addf %add3A_205, %get3A_209 : vector<16xf32>
          %max3A_211 = arith.constant 0.000000e+00 : f32
          %max3A_212 = vector.broadcast %max3A_211 : f32 to vector<16xf32>
          %max3A_213 = arith.maximumf %add3A_210, %max3A_212 : vector<16xf32>
          %swap3A_214 = arith.index_cast %scan3A_88 : i32 to index
          %swap3A_215 = arith.constant 80 : index
          %swap3A_216 = tpu.vector_load %arg19[%swap3A_214, %swap3A_215] {strides = array<i32>} : memref<64x128xf32, #tpu.memory_space<vmem>>, vector<1x16xf32>,
          %swap3A_217 = vector.shape_cast %swap3A_216 : vector<1x16xf32> to vector<16xf32>
          %swap3A_218 = vector.shape_cast %max3A_213 : vector<16xf32> to vector<1x16xf32>
          tpu.vector_store %arg19[%swap3A_214, %swap3A_215], %swap3A_218 {strides = array<i32>} : memref<64x128xf32, #tpu.memory_space<vmem>>, vector<1x16xf32>,
          %get3A_219 = arith.index_cast %scan3A_88 : i32 to index
          %get3A_220 = arith.constant 96 : index
          %get3A_221 = tpu.vector_load %arg19[%get3A_219, %get3A_220] {strides = array<i32>} : memref<64x128xf32, #tpu.memory_space<vmem>>, vector<1x16xf32>,
          %get3A_222 = vector.shape_cast %get3A_221 : vector<1x16xf32> to vector<16xf32>
          %get3A_223 = arith.index_cast %scan3A_88 : i32 to index
          %get3A_224 = arith.constant 96 : index
          %get3A_225 = tpu.vector_load %arg16[%get3A_223, %get3A_224] {strides = array<i32>} : memref<64x128xf32, #tpu.memory_space<vmem>>, vector<1x16xf32>,
          %get3A_226 = vector.shape_cast %get3A_225 : vector<1x16xf32> to vector<16xf32>
          %add3A_227 = arith.addf %get3A_222, %get3A_226 : vector<16xf32>
          %get3A_228 = arith.index_cast %scan3A_88 : i32 to index
          %get3A_229 = arith.constant 96 : index
          %get3A_230 = tpu.vector_load %arg17[%get3A_228, %get3A_229] {strides = array<i32>} : memref<64x128xf32, #tpu.memory_space<vmem>>, vector<1x16xf32>,
          %get3A_231 = vector.shape_cast %get3A_230 : vector<1x16xf32> to vector<16xf32>
          %add3A_232 = arith.addf %add3A_227, %get3A_231 : vector<16xf32>
          %max3A_233 = arith.constant 0.000000e+00 : f32
          %max3A_234 = vector.broadcast %max3A_233 : f32 to vector<16xf32>
          %max3A_235 = arith.maximumf %add3A_232, %max3A_234 : vector<16xf32>
          %swap3A_236 = arith.index_cast %scan3A_88 : i32 to index
          %swap3A_237 = arith.constant 96 : index
          %swap3A_238 = tpu.vector_load %arg19[%swap3A_236, %swap3A_237] {strides = array<i32>} : memref<64x128xf32, #tpu.memory_space<vmem>>, vector<1x16xf32>,
          %swap3A_239 = vector.shape_cast %swap3A_238 : vector<1x16xf32> to vector<16xf32>
          %swap3A_240 = vector.shape_cast %max3A_235 : vector<16xf32> to vector<1x16xf32>
          tpu.vector_store %arg19[%swap3A_236, %swap3A_237], %swap3A_240 {strides = array<i32>} : memref<64x128xf32, #tpu.memory_space<vmem>>, vector<1x16xf32>,
          %get3A_241 = arith.index_cast %scan3A_88 : i32 to index
          %get3A_242 = arith.constant 112 : index
          %get3A_243 = tpu.vector_load %arg19[%get3A_241, %get3A_242] {strides = array<i32>} : memref<64x128xf32, #tpu.memory_space<vmem>>, vector<1x16xf32>,
          %get3A_244 = vector.shape_cast %get3A_243 : vector<1x16xf32> to vector<16xf32>
          %get3A_245 = arith.index_cast %scan3A_88 : i32 to index
          %get3A_246 = arith.constant 112 : index
          %get3A_247 = tpu.vector_load %arg16[%get3A_245, %get3A_246] {strides = array<i32>} : memref<64x128xf32, #tpu.memory_space<vmem>>, vector<1x16xf32>,
          %get3A_248 = vector.shape_cast %get3A_247 : vector<1x16xf32> to vector<16xf32>
          %add3A_249 = arith.addf %get3A_244, %get3A_248 : vector<16xf32>
          %get3A_250 = arith.index_cast %scan3A_88 : i32 to index
          %get3A_251 = arith.constant 112 : index
          %get3A_252 = tpu.vector_load %arg17[%get3A_250, %get3A_251] {strides = array<i32>} : memref<64x128xf32, #tpu.memory_space<vmem>>, vector<1x16xf32>,
          %get3A_253 = vector.shape_cast %get3A_252 : vector<1x16xf32> to vector<16xf32>
          %add3A_254 = arith.addf %add3A_249, %get3A_253 : vector<16xf32>
          %max3A_255 = arith.constant 0.000000e+00 : f32
          %max3A_256 = vector.broadcast %max3A_255 : f32 to vector<16xf32>
          %max3A_257 = arith.maximumf %add3A_254, %max3A_256 : vector<16xf32>
          %swap3A_258 = arith.index_cast %scan3A_88 : i32 to index
          %swap3A_259 = arith.constant 112 : index
          %swap3A_260 = tpu.vector_load %arg19[%swap3A_258, %swap3A_259] {strides = array<i32>} : memref<64x128xf32, #tpu.memory_space<vmem>>, vector<1x16xf32>,
          %swap3A_261 = vector.shape_cast %swap3A_260 : vector<1x16xf32> to vector<16xf32>
          %swap3A_262 = vector.shape_cast %max3A_257 : vector<16xf32> to vector<1x16xf32>
          tpu.vector_store %arg19[%swap3A_258, %swap3A_259], %swap3A_262 {strides = array<i32>} : memref<64x128xf32, #tpu.memory_space<vmem>>, vector<1x16xf32>,
          %scan3A_263 = arith.constant 0 : i32
          scf.yield %scan3A_263 : i32
        }
        %scan3A_87 = arith.constant 64 : i32
        "tpu.region"() ({
          %run_scoped3A = tpu.sem_alloc : memref<!tpu.dma_semaphore, #tpu.memory_space<semaphore_mem>>
          %dma_start3A = arith.constant 0 : i32
          %dma_start3A_88 = arith.constant 0 : i32
          %dma_start3A_89 = tpu.memref_slice %arg9[%dma_start3A, %dma_start3A_88] : memref<10000x128xf32, #tpu.memory_space<vmem_shared>> -> memref<10000x128xf32, #tpu.memory_space<vmem_shared>>
          tpu.enqueue_indirect_dma source(%arg19 : memref<64x128xf32, #tpu.memory_space<vmem>>) target(%dma_start3A_89 : memref<10000x128xf32, #tpu.memory_space<vmem_shared>>) offsets(%arg13 : memref<64xi32, #tpu.memory_space<vmem>>) semaphore(%run_scoped3A : memref<!tpu.dma_semaphore, #tpu.memory_space<semaphore_mem>>) {add = true}
          %dma_wait3A_90 = arith.constant 0 : i32
          %dma_wait3A_91 = arith.constant 0 : i32
          %dma_wait3A_92 = tpu.memref_slice %arg9[%dma_wait3A_90, %dma_wait3A_91] : memref<10000x128xf32, #tpu.memory_space<vmem_shared>> -> memref<10000x128xf32, #tpu.memory_space<vmem_shared>>
          tpu.wait_indirect_dma semaphore(%run_scoped3A : memref<!tpu.dma_semaphore, #tpu.memory_space<semaphore_mem>>) src(%arg19 : memref<64x128xf32, #tpu.memory_space<vmem>>) dst(%dma_wait3A_92 : memref<10000x128xf32, #tpu.memory_space<vmem_shared>>)
          tpu.yield
        }) : () -> ()
      } else {
      }
    }
    %scan3A_15 = arith.constant 78 : i32
    %add3A_16 = arith.constant 4992 : i32
    %add3A_17 = arith.addi %add3A_16, %add3A : i32
    %lt3A_18 = arith.constant 5000 : i32
    %lt3A_19 = arith.cmpi slt, %add3A_17, %lt3A_18 : i32
    %convert_element_type3A_20 = arith.extui %lt3A_19 : i1 to i32
    %cond3A_21 = arith.constant 0 : i32
    %cond3A_22 = arith.cmpi ne, %convert_element_type3A_20, %cond3A_21 : i32
    scf.if %cond3A_22 {
      %mul3A_29 = arith.constant 64 : i32
      %mul3A_30 = arith.muli %add3A_17, %mul3A_29 : i32
      %dma_wait3A = arith.constant 0 : i32
      %dma_wait3A_31 = arith.constant 0 : i32
      %dma_wait3A_32 = tpu.memref_slice %arg2[%dma_wait3A, %dma_wait3A_31] : memref<10000x128xf32, #tpu.memory_space<hbm>> -> memref<10000x128xf32, #tpu.memory_space<hbm>>
      tpu.wait_indirect_dma semaphore(%arg20 : memref<!tpu.dma_semaphore, #tpu.memory_space<semaphore_mem>>) src(%dma_wait3A_32 : memref<10000x128xf32, #tpu.memory_space<hbm>>) dst(%arg14 : memref<64x128xf32, #tpu.memory_space<vmem>>)
      %dma_wait3A_33 = arith.constant 0 : i32
      %dma_wait3A_34 = arith.constant 0 : i32
      %dma_wait3A_35 = tpu.memref_slice %arg3[%dma_wait3A_33, %dma_wait3A_34] : memref<10000x128xf32, #tpu.memory_space<hbm>> -> memref<10000x128xf32, #tpu.memory_space<hbm>>
      tpu.wait_indirect_dma semaphore(%arg21 : memref<!tpu.dma_semaphore, #tpu.memory_space<semaphore_mem>>) src(%dma_wait3A_35 : memref<10000x128xf32, #tpu.memory_space<hbm>>) dst(%arg15 : memref<64x128xf32, #tpu.memory_space<vmem>>)
      %dma_wait3A_36 = arith.constant 0 : i32
      %dma_wait3A_37 = tpu.memref_slice %arg4[%mul3A_30, %dma_wait3A_36] : memref<320000x128xf32, #tpu.memory_space<hbm>> -> memref<64x128xf32, #tpu.memory_space<hbm>>
      %dma_wait3A_38 = arith.constant 0 : i32
      %dma_wait3A_39 = tpu.memref_slice %arg4[%mul3A_30, %dma_wait3A_38] : memref<320000x128xf32, #tpu.memory_space<hbm>> -> memref<64x128xf32, #tpu.memory_space<hbm>>
      tpu.wait_dma2 semaphore(%arg24 : memref<!tpu.dma_semaphore, #tpu.memory_space<semaphore_mem>>) src(%dma_wait3A_39 : memref<64x128xf32, #tpu.memory_space<hbm>>) dst(%arg18 : memref<64x128xf32, #tpu.memory_space<vmem>>)
      %scan3A_40 = arith.constant 0 : i32
      %scan3A_41 = arith.constant 0 : i32
      %scan3A_42 = arith.constant 64 : i32
      %scan3A_43 = arith.addi %scan3A_41, %scan3A_42 : i32
      %scan3A_44 = arith.constant 1 : i32
      %scan3A_45 = scf.for %scan3A_47 = %scan3A_41 to %scan3A_43 step %scan3A_44 iter_args(%scan3A_48 = %scan3A_40) -> (i32)  : i32 {
        %get3A = arith.index_cast %scan3A_47 : i32 to index
        %get3A_49 = arith.constant 0 : index
        %get3A_50 = tpu.vector_load %arg18[%get3A, %get3A_49] {strides = array<i32>} : memref<64x128xf32, #tpu.memory_space<vmem>>, vector<1x16xf32>,
        %get3A_51 = vector.shape_cast %get3A_50 : vector<1x16xf32> to vector<16xf32>
        %get3A_52 = arith.index_cast %scan3A_47 : i32 to index
        %get3A_53 = arith.constant 0 : index
        %get3A_54 = tpu.vector_load %arg14[%get3A_52, %get3A_53] {strides = array<i32>} : memref<64x128xf32, #tpu.memory_space<vmem>>, vector<1x16xf32>,
        %get3A_55 = vector.shape_cast %get3A_54 : vector<1x16xf32> to vector<16xf32>
        %add3A_56 = arith.addf %get3A_51, %get3A_55 : vector<16xf32>
        %get3A_57 = arith.index_cast %scan3A_47 : i32 to index
        %get3A_58 = arith.constant 0 : index
        %get3A_59 = tpu.vector_load %arg15[%get3A_57, %get3A_58] {strides = array<i32>} : memref<64x128xf32, #tpu.memory_space<vmem>>, vector<1x16xf32>,
        %get3A_60 = vector.shape_cast %get3A_59 : vector<1x16xf32> to vector<16xf32>
        %add3A_61 = arith.addf %add3A_56, %get3A_60 : vector<16xf32>
        %max3A = arith.constant 0.000000e+00 : f32
        %max3A_62 = vector.broadcast %max3A : f32 to vector<16xf32>
        %max3A_63 = arith.maximumf %add3A_61, %max3A_62 : vector<16xf32>
        %swap3A = arith.index_cast %scan3A_47 : i32 to index
        %swap3A_64 = arith.constant 0 : index
        %swap3A_65 = tpu.vector_load %arg18[%swap3A, %swap3A_64] {strides = array<i32>} : memref<64x128xf32, #tpu.memory_space<vmem>>, vector<1x16xf32>,
        %swap3A_66 = vector.shape_cast %swap3A_65 : vector<1x16xf32> to vector<16xf32>
        %swap3A_67 = vector.shape_cast %max3A_63 : vector<16xf32> to vector<1x16xf32>
        tpu.vector_store %arg18[%swap3A, %swap3A_64], %swap3A_67 {strides = array<i32>} : memref<64x128xf32, #tpu.memory_space<vmem>>, vector<1x16xf32>,
        %get3A_68 = arith.index_cast %scan3A_47 : i32 to index
        %get3A_69 = arith.constant 16 : index
        %get3A_70 = tpu.vector_load %arg18[%get3A_68, %get3A_69] {strides = array<i32>} : memref<64x128xf32, #tpu.memory_space<vmem>>, vector<1x16xf32>,
        %get3A_71 = vector.shape_cast %get3A_70 : vector<1x16xf32> to vector<16xf32>
        %get3A_72 = arith.index_cast %scan3A_47 : i32 to index
        %get3A_73 = arith.constant 16 : index
        %get3A_74 = tpu.vector_load %arg14[%get3A_72, %get3A_73] {strides = array<i32>} : memref<64x128xf32, #tpu.memory_space<vmem>>, vector<1x16xf32>,
        %get3A_75 = vector.shape_cast %get3A_74 : vector<1x16xf32> to vector<16xf32>
        %add3A_76 = arith.addf %get3A_71, %get3A_75 : vector<16xf32>
        %get3A_77 = arith.index_cast %scan3A_47 : i32 to index
        %get3A_78 = arith.constant 16 : index
        %get3A_79 = tpu.vector_load %arg15[%get3A_77, %get3A_78] {strides = array<i32>} : memref<64x128xf32, #tpu.memory_space<vmem>>, vector<1x16xf32>,
        %get3A_80 = vector.shape_cast %get3A_79 : vector<1x16xf32> to vector<16xf32>
        %add3A_81 = arith.addf %add3A_76, %get3A_80 : vector<16xf32>
        %max3A_82 = arith.constant 0.000000e+00 : f32
        %max3A_83 = vector.broadcast %max3A_82 : f32 to vector<16xf32>
        %max3A_84 = arith.maximumf %add3A_81, %max3A_83 : vector<16xf32>
        %swap3A_85 = arith.index_cast %scan3A_47 : i32 to index
        %swap3A_86 = arith.constant 16 : index
        %swap3A_87 = tpu.vector_load %arg18[%swap3A_85, %swap3A_86] {strides = array<i32>} : memref<64x128xf32, #tpu.memory_space<vmem>>, vector<1x16xf32>,
        %swap3A_88 = vector.shape_cast %swap3A_87 : vector<1x16xf32> to vector<16xf32>
        %swap3A_89 = vector.shape_cast %max3A_84 : vector<16xf32> to vector<1x16xf32>
        tpu.vector_store %arg18[%swap3A_85, %swap3A_86], %swap3A_89 {strides = array<i32>} : memref<64x128xf32, #tpu.memory_space<vmem>>, vector<1x16xf32>,
        %get3A_90 = arith.index_cast %scan3A_47 : i32 to index
        %get3A_91 = arith.constant 32 : index
        %get3A_92 = tpu.vector_load %arg18[%get3A_90, %get3A_91] {strides = array<i32>} : memref<64x128xf32, #tpu.memory_space<vmem>>, vector<1x16xf32>,
        %get3A_93 = vector.shape_cast %get3A_92 : vector<1x16xf32> to vector<16xf32>
        %get3A_94 = arith.index_cast %scan3A_47 : i32 to index
        %get3A_95 = arith.constant 32 : index
        %get3A_96 = tpu.vector_load %arg14[%get3A_94, %get3A_95] {strides = array<i32>} : memref<64x128xf32, #tpu.memory_space<vmem>>, vector<1x16xf32>,
        %get3A_97 = vector.shape_cast %get3A_96 : vector<1x16xf32> to vector<16xf32>
        %add3A_98 = arith.addf %get3A_93, %get3A_97 : vector<16xf32>
        %get3A_99 = arith.index_cast %scan3A_47 : i32 to index
        %get3A_100 = arith.constant 32 : index
        %get3A_101 = tpu.vector_load %arg15[%get3A_99, %get3A_100] {strides = array<i32>} : memref<64x128xf32, #tpu.memory_space<vmem>>, vector<1x16xf32>,
        %get3A_102 = vector.shape_cast %get3A_101 : vector<1x16xf32> to vector<16xf32>
        %add3A_103 = arith.addf %add3A_98, %get3A_102 : vector<16xf32>
        %max3A_104 = arith.constant 0.000000e+00 : f32
        %max3A_105 = vector.broadcast %max3A_104 : f32 to vector<16xf32>
        %max3A_106 = arith.maximumf %add3A_103, %max3A_105 : vector<16xf32>
        %swap3A_107 = arith.index_cast %scan3A_47 : i32 to index
        %swap3A_108 = arith.constant 32 : index
        %swap3A_109 = tpu.vector_load %arg18[%swap3A_107, %swap3A_108] {strides = array<i32>} : memref<64x128xf32, #tpu.memory_space<vmem>>, vector<1x16xf32>,
        %swap3A_110 = vector.shape_cast %swap3A_109 : vector<1x16xf32> to vector<16xf32>
        %swap3A_111 = vector.shape_cast %max3A_106 : vector<16xf32> to vector<1x16xf32>
        tpu.vector_store %arg18[%swap3A_107, %swap3A_108], %swap3A_111 {strides = array<i32>} : memref<64x128xf32, #tpu.memory_space<vmem>>, vector<1x16xf32>,
        %get3A_112 = arith.index_cast %scan3A_47 : i32 to index
        %get3A_113 = arith.constant 48 : index
        %get3A_114 = tpu.vector_load %arg18[%get3A_112, %get3A_113] {strides = array<i32>} : memref<64x128xf32, #tpu.memory_space<vmem>>, vector<1x16xf32>,
        %get3A_115 = vector.shape_cast %get3A_114 : vector<1x16xf32> to vector<16xf32>
        %get3A_116 = arith.index_cast %scan3A_47 : i32 to index
        %get3A_117 = arith.constant 48 : index
        %get3A_118 = tpu.vector_load %arg14[%get3A_116, %get3A_117] {strides = array<i32>} : memref<64x128xf32, #tpu.memory_space<vmem>>, vector<1x16xf32>,
        %get3A_119 = vector.shape_cast %get3A_118 : vector<1x16xf32> to vector<16xf32>
        %add3A_120 = arith.addf %get3A_115, %get3A_119 : vector<16xf32>
        %get3A_121 = arith.index_cast %scan3A_47 : i32 to index
        %get3A_122 = arith.constant 48 : index
        %get3A_123 = tpu.vector_load %arg15[%get3A_121, %get3A_122] {strides = array<i32>} : memref<64x128xf32, #tpu.memory_space<vmem>>, vector<1x16xf32>,
        %get3A_124 = vector.shape_cast %get3A_123 : vector<1x16xf32> to vector<16xf32>
        %add3A_125 = arith.addf %add3A_120, %get3A_124 : vector<16xf32>
        %max3A_126 = arith.constant 0.000000e+00 : f32
        %max3A_127 = vector.broadcast %max3A_126 : f32 to vector<16xf32>
        %max3A_128 = arith.maximumf %add3A_125, %max3A_127 : vector<16xf32>
        %swap3A_129 = arith.index_cast %scan3A_47 : i32 to index
        %swap3A_130 = arith.constant 48 : index
        %swap3A_131 = tpu.vector_load %arg18[%swap3A_129, %swap3A_130] {strides = array<i32>} : memref<64x128xf32, #tpu.memory_space<vmem>>, vector<1x16xf32>,
        %swap3A_132 = vector.shape_cast %swap3A_131 : vector<1x16xf32> to vector<16xf32>
        %swap3A_133 = vector.shape_cast %max3A_128 : vector<16xf32> to vector<1x16xf32>
        tpu.vector_store %arg18[%swap3A_129, %swap3A_130], %swap3A_133 {strides = array<i32>} : memref<64x128xf32, #tpu.memory_space<vmem>>, vector<1x16xf32>,
        %get3A_134 = arith.index_cast %scan3A_47 : i32 to index
        %get3A_135 = arith.constant 64 : index
        %get3A_136 = tpu.vector_load %arg18[%get3A_134, %get3A_135] {strides = array<i32>} : memref<64x128xf32, #tpu.memory_space<vmem>>, vector<1x16xf32>,
        %get3A_137 = vector.shape_cast %get3A_136 : vector<1x16xf32> to vector<16xf32>
        %get3A_138 = arith.index_cast %scan3A_47 : i32 to index
        %get3A_139 = arith.constant 64 : index
        %get3A_140 = tpu.vector_load %arg14[%get3A_138, %get3A_139] {strides = array<i32>} : memref<64x128xf32, #tpu.memory_space<vmem>>, vector<1x16xf32>,
        %get3A_141 = vector.shape_cast %get3A_140 : vector<1x16xf32> to vector<16xf32>
        %add3A_142 = arith.addf %get3A_137, %get3A_141 : vector<16xf32>
        %get3A_143 = arith.index_cast %scan3A_47 : i32 to index
        %get3A_144 = arith.constant 64 : index
        %get3A_145 = tpu.vector_load %arg15[%get3A_143, %get3A_144] {strides = array<i32>} : memref<64x128xf32, #tpu.memory_space<vmem>>, vector<1x16xf32>,
        %get3A_146 = vector.shape_cast %get3A_145 : vector<1x16xf32> to vector<16xf32>
        %add3A_147 = arith.addf %add3A_142, %get3A_146 : vector<16xf32>
        %max3A_148 = arith.constant 0.000000e+00 : f32
        %max3A_149 = vector.broadcast %max3A_148 : f32 to vector<16xf32>
        %max3A_150 = arith.maximumf %add3A_147, %max3A_149 : vector<16xf32>
        %swap3A_151 = arith.index_cast %scan3A_47 : i32 to index
        %swap3A_152 = arith.constant 64 : index
        %swap3A_153 = tpu.vector_load %arg18[%swap3A_151, %swap3A_152] {strides = array<i32>} : memref<64x128xf32, #tpu.memory_space<vmem>>, vector<1x16xf32>,
        %swap3A_154 = vector.shape_cast %swap3A_153 : vector<1x16xf32> to vector<16xf32>
        %swap3A_155 = vector.shape_cast %max3A_150 : vector<16xf32> to vector<1x16xf32>
        tpu.vector_store %arg18[%swap3A_151, %swap3A_152], %swap3A_155 {strides = array<i32>} : memref<64x128xf32, #tpu.memory_space<vmem>>, vector<1x16xf32>,
        %get3A_156 = arith.index_cast %scan3A_47 : i32 to index
        %get3A_157 = arith.constant 80 : index
        %get3A_158 = tpu.vector_load %arg18[%get3A_156, %get3A_157] {strides = array<i32>} : memref<64x128xf32, #tpu.memory_space<vmem>>, vector<1x16xf32>,
        %get3A_159 = vector.shape_cast %get3A_158 : vector<1x16xf32> to vector<16xf32>
        %get3A_160 = arith.index_cast %scan3A_47 : i32 to index
        %get3A_161 = arith.constant 80 : index
        %get3A_162 = tpu.vector_load %arg14[%get3A_160, %get3A_161] {strides = array<i32>} : memref<64x128xf32, #tpu.memory_space<vmem>>, vector<1x16xf32>,
        %get3A_163 = vector.shape_cast %get3A_162 : vector<1x16xf32> to vector<16xf32>
        %add3A_164 = arith.addf %get3A_159, %get3A_163 : vector<16xf32>
        %get3A_165 = arith.index_cast %scan3A_47 : i32 to index
        %get3A_166 = arith.constant 80 : index
        %get3A_167 = tpu.vector_load %arg15[%get3A_165, %get3A_166] {strides = array<i32>} : memref<64x128xf32, #tpu.memory_space<vmem>>, vector<1x16xf32>,
        %get3A_168 = vector.shape_cast %get3A_167 : vector<1x16xf32> to vector<16xf32>
        %add3A_169 = arith.addf %add3A_164, %get3A_168 : vector<16xf32>
        %max3A_170 = arith.constant 0.000000e+00 : f32
        %max3A_171 = vector.broadcast %max3A_170 : f32 to vector<16xf32>
        %max3A_172 = arith.maximumf %add3A_169, %max3A_171 : vector<16xf32>
        %swap3A_173 = arith.index_cast %scan3A_47 : i32 to index
        %swap3A_174 = arith.constant 80 : index
        %swap3A_175 = tpu.vector_load %arg18[%swap3A_173, %swap3A_174] {strides = array<i32>} : memref<64x128xf32, #tpu.memory_space<vmem>>, vector<1x16xf32>,
        %swap3A_176 = vector.shape_cast %swap3A_175 : vector<1x16xf32> to vector<16xf32>
        %swap3A_177 = vector.shape_cast %max3A_172 : vector<16xf32> to vector<1x16xf32>
        tpu.vector_store %arg18[%swap3A_173, %swap3A_174], %swap3A_177 {strides = array<i32>} : memref<64x128xf32, #tpu.memory_space<vmem>>, vector<1x16xf32>,
        %get3A_178 = arith.index_cast %scan3A_47 : i32 to index
        %get3A_179 = arith.constant 96 : index
        %get3A_180 = tpu.vector_load %arg18[%get3A_178, %get3A_179] {strides = array<i32>} : memref<64x128xf32, #tpu.memory_space<vmem>>, vector<1x16xf32>,
        %get3A_181 = vector.shape_cast %get3A_180 : vector<1x16xf32> to vector<16xf32>
        %get3A_182 = arith.index_cast %scan3A_47 : i32 to index
        %get3A_183 = arith.constant 96 : index
        %get3A_184 = tpu.vector_load %arg14[%get3A_182, %get3A_183] {strides = array<i32>} : memref<64x128xf32, #tpu.memory_space<vmem>>, vector<1x16xf32>,
        %get3A_185 = vector.shape_cast %get3A_184 : vector<1x16xf32> to vector<16xf32>
        %add3A_186 = arith.addf %get3A_181, %get3A_185 : vector<16xf32>
        %get3A_187 = arith.index_cast %scan3A_47 : i32 to index
        %get3A_188 = arith.constant 96 : index
        %get3A_189 = tpu.vector_load %arg15[%get3A_187, %get3A_188] {strides = array<i32>} : memref<64x128xf32, #tpu.memory_space<vmem>>, vector<1x16xf32>,
        %get3A_190 = vector.shape_cast %get3A_189 : vector<1x16xf32> to vector<16xf32>
        %add3A_191 = arith.addf %add3A_186, %get3A_190 : vector<16xf32>
        %max3A_192 = arith.constant 0.000000e+00 : f32
        %max3A_193 = vector.broadcast %max3A_192 : f32 to vector<16xf32>
        %max3A_194 = arith.maximumf %add3A_191, %max3A_193 : vector<16xf32>
        %swap3A_195 = arith.index_cast %scan3A_47 : i32 to index
        %swap3A_196 = arith.constant 96 : index
        %swap3A_197 = tpu.vector_load %arg18[%swap3A_195, %swap3A_196] {strides = array<i32>} : memref<64x128xf32, #tpu.memory_space<vmem>>, vector<1x16xf32>,
        %swap3A_198 = vector.shape_cast %swap3A_197 : vector<1x16xf32> to vector<16xf32>
        %swap3A_199 = vector.shape_cast %max3A_194 : vector<16xf32> to vector<1x16xf32>
        tpu.vector_store %arg18[%swap3A_195, %swap3A_196], %swap3A_199 {strides = array<i32>} : memref<64x128xf32, #tpu.memory_space<vmem>>, vector<1x16xf32>,
        %get3A_200 = arith.index_cast %scan3A_47 : i32 to index
        %get3A_201 = arith.constant 112 : index
        %get3A_202 = tpu.vector_load %arg18[%get3A_200, %get3A_201] {strides = array<i32>} : memref<64x128xf32, #tpu.memory_space<vmem>>, vector<1x16xf32>,
        %get3A_203 = vector.shape_cast %get3A_202 : vector<1x16xf32> to vector<16xf32>
        %get3A_204 = arith.index_cast %scan3A_47 : i32 to index
        %get3A_205 = arith.constant 112 : index
        %get3A_206 = tpu.vector_load %arg14[%get3A_204, %get3A_205] {strides = array<i32>} : memref<64x128xf32, #tpu.memory_space<vmem>>, vector<1x16xf32>,
        %get3A_207 = vector.shape_cast %get3A_206 : vector<1x16xf32> to vector<16xf32>
        %add3A_208 = arith.addf %get3A_203, %get3A_207 : vector<16xf32>
        %get3A_209 = arith.index_cast %scan3A_47 : i32 to index
        %get3A_210 = arith.constant 112 : index
        %get3A_211 = tpu.vector_load %arg15[%get3A_209, %get3A_210] {strides = array<i32>} : memref<64x128xf32, #tpu.memory_space<vmem>>, vector<1x16xf32>,
        %get3A_212 = vector.shape_cast %get3A_211 : vector<1x16xf32> to vector<16xf32>
        %add3A_213 = arith.addf %add3A_208, %get3A_212 : vector<16xf32>
        %max3A_214 = arith.constant 0.000000e+00 : f32
        %max3A_215 = vector.broadcast %max3A_214 : f32 to vector<16xf32>
        %max3A_216 = arith.maximumf %add3A_213, %max3A_215 : vector<16xf32>
        %swap3A_217 = arith.index_cast %scan3A_47 : i32 to index
        %swap3A_218 = arith.constant 112 : index
        %swap3A_219 = tpu.vector_load %arg18[%swap3A_217, %swap3A_218] {strides = array<i32>} : memref<64x128xf32, #tpu.memory_space<vmem>>, vector<1x16xf32>,
        %swap3A_220 = vector.shape_cast %swap3A_219 : vector<1x16xf32> to vector<16xf32>
        %swap3A_221 = vector.shape_cast %max3A_216 : vector<16xf32> to vector<1x16xf32>
        tpu.vector_store %arg18[%swap3A_217, %swap3A_218], %swap3A_221 {strides = array<i32>} : memref<64x128xf32, #tpu.memory_space<vmem>>, vector<1x16xf32>,
        %scan3A_222 = arith.constant 0 : i32
        scf.yield %scan3A_222 : i32
      }
      %scan3A_46 = arith.constant 64 : i32
      "tpu.region"() ({
        %run_scoped3A = tpu.sem_alloc : memref<!tpu.dma_semaphore, #tpu.memory_space<semaphore_mem>>
        %dma_start3A = arith.constant 0 : i32
        %dma_start3A_47 = arith.constant 0 : i32
        %dma_start3A_48 = tpu.memref_slice %arg9[%dma_start3A, %dma_start3A_47] : memref<10000x128xf32, #tpu.memory_space<vmem_shared>> -> memref<10000x128xf32, #tpu.memory_space<vmem_shared>>
        tpu.enqueue_indirect_dma source(%arg18 : memref<64x128xf32, #tpu.memory_space<vmem>>) target(%dma_start3A_48 : memref<10000x128xf32, #tpu.memory_space<vmem_shared>>) offsets(%arg11 : memref<64xi32, #tpu.memory_space<vmem>>) semaphore(%run_scoped3A : memref<!tpu.dma_semaphore, #tpu.memory_space<semaphore_mem>>) {add = true}
        %dma_wait3A_49 = arith.constant 0 : i32
        %dma_wait3A_50 = arith.constant 0 : i32
        %dma_wait3A_51 = tpu.memref_slice %arg9[%dma_wait3A_49, %dma_wait3A_50] : memref<10000x128xf32, #tpu.memory_space<vmem_shared>> -> memref<10000x128xf32, #tpu.memory_space<vmem_shared>>
        tpu.wait_indirect_dma semaphore(%run_scoped3A : memref<!tpu.dma_semaphore, #tpu.memory_space<semaphore_mem>>) src(%arg18 : memref<64x128xf32, #tpu.memory_space<vmem>>) dst(%dma_wait3A_51 : memref<10000x128xf32, #tpu.memory_space<vmem_shared>>)
        tpu.yield
      }) : () -> ()
    } else {
    }
    %barrier3A_23 = arith.constant 0 : index
    tpu.barrier barrier_id(%barrier3A_23)
    "tpu.region"() ({
      %run_scoped3A = tpu.sem_alloc : memref<!tpu.dma_semaphore, #tpu.memory_space<semaphore_mem>>
      %dma_start3A = arith.constant 0 : i32
      %dma_start3A_29 = tpu.memref_slice %arg8[%arg0, %mul3A_2, %dma_start3A] : memref<2x10000x128xf32, #tpu.memory_space<hbm>> -> memref<1x624x128xf32, #tpu.memory_space<hbm>>
      %dma_start3A_30 = tpu.memref_squeeze %dma_start3A_29 : memref<1x624x128xf32, #tpu.memory_space<hbm>> -> memref<624x128xf32, #tpu.memory_space<hbm>>
      %dma_start3A_31 = arith.constant 0 : i32
      %dma_start3A_32 = tpu.memref_slice %arg9[%mul3A_2, %dma_start3A_31] : memref<10000x128xf32, #tpu.memory_space<vmem_shared>> -> memref<624x128xf32, #tpu.memory_space<vmem_shared>>
      tpu.enqueue_dma source(%dma_start3A_32 : memref<624x128xf32, #tpu.memory_space<vmem_shared>>) target(%dma_start3A_30 : memref<624x128xf32, #tpu.memory_space<hbm>>) target_semaphore(%run_scoped3A : memref<!tpu.dma_semaphore, #tpu.memory_space<semaphore_mem>>)
      %dma_wait3A = arith.constant 0 : i32
      %dma_wait3A_33 = tpu.memref_slice %arg8[%arg0, %mul3A_2, %dma_wait3A] : memref<2x10000x128xf32, #tpu.memory_space<hbm>> -> memref<1x624x128xf32, #tpu.memory_space<hbm>>
      %dma_wait3A_34 = tpu.memref_squeeze %dma_wait3A_33 : memref<1x624x128xf32, #tpu.memory_space<hbm>> -> memref<624x128xf32, #tpu.memory_space<hbm>>
      %dma_wait3A_35 = arith.constant 0 : i32
      %dma_wait3A_36 = tpu.memref_slice %arg9[%mul3A_2, %dma_wait3A_35] : memref<10000x128xf32, #tpu.memory_space<vmem_shared>> -> memref<624x128xf32, #tpu.memory_space<vmem_shared>>
      tpu.wait_dma2 semaphore(%run_scoped3A : memref<!tpu.dma_semaphore, #tpu.memory_space<semaphore_mem>>) src(%dma_wait3A_36 : memref<624x128xf32, #tpu.memory_space<vmem_shared>>) dst(%dma_wait3A_34 : memref<624x128xf32, #tpu.memory_space<hbm>>)
      tpu.yield
    }) : () -> ()
    %eq3A_24 = arith.constant 0 : i32
    %eq3A_25 = arith.cmpi eq, %arg1, %eq3A_24 : i32
    %convert_element_type3A_26 = arith.extui %eq3A_25 : i1 to i32
    %cond3A_27 = arith.constant 0 : i32
    %cond3A_28 = arith.cmpi ne, %convert_element_type3A_26, %cond3A_27 : i32
    scf.if %cond3A_28 {
      "tpu.region"() ({
        %run_scoped3A = tpu.sem_alloc : memref<!tpu.dma_semaphore, #tpu.memory_space<semaphore_mem>>
        %dma_start3A = arith.constant 9984 : i32
        %dma_start3A_29 = arith.constant 0 : i32
        %dma_start3A_30 = tpu.memref_slice %arg8[%arg0, %dma_start3A, %dma_start3A_29] : memref<2x10000x128xf32, #tpu.memory_space<hbm>> -> memref<1x16x128xf32, #tpu.memory_space<hbm>>
        %dma_start3A_31 = tpu.memref_squeeze %dma_start3A_30 : memref<1x16x128xf32, #tpu.memory_space<hbm>> -> memref<16x128xf32, #tpu.memory_space<hbm>>
        %dma_start3A_32 = arith.constant 9984 : i32
        %dma_start3A_33 = arith.constant 0 : i32
        %dma_start3A_34 = tpu.memref_slice %arg9[%dma_start3A_32, %dma_start3A_33] : memref<10000x128xf32, #tpu.memory_space<vmem_shared>> -> memref<16x128xf32, #tpu.memory_space<vmem_shared>>
        tpu.enqueue_dma source(%dma_start3A_34 : memref<16x128xf32, #tpu.memory_space<vmem_shared>>) target(%dma_start3A_31 : memref<16x128xf32, #tpu.memory_space<hbm>>) target_semaphore(%run_scoped3A : memref<!tpu.dma_semaphore, #tpu.memory_space<semaphore_mem>>)
        %dma_wait3A = arith.constant 9984 : i32
        %dma_wait3A_35 = arith.constant 0 : i32
        %dma_wait3A_36 = tpu.memref_slice %arg8[%arg0, %dma_wait3A, %dma_wait3A_35] : memref<2x10000x128xf32, #tpu.memory_space<hbm>> -> memref<1x16x128xf32, #tpu.memory_space<hbm>>
        %dma_wait3A_37 = tpu.memref_squeeze %dma_wait3A_36 : memref<1x16x128xf32, #tpu.memory_space<hbm>> -> memref<16x128xf32, #tpu.memory_space<hbm>>
        %dma_wait3A_38 = arith.constant 9984 : i32
        %dma_wait3A_39 = arith.constant 0 : i32
        %dma_wait3A_40 = tpu.memref_slice %arg9[%dma_wait3A_38, %dma_wait3A_39] : memref<10000x128xf32, #tpu.memory_space<vmem_shared>> -> memref<16x128xf32, #tpu.memory_space<vmem_shared>>
        tpu.wait_dma2 semaphore(%run_scoped3A : memref<!tpu.dma_semaphore, #tpu.memory_space<semaphore_mem>>) src(%dma_wait3A_40 : memref<16x128xf32, #tpu.memory_space<vmem_shared>>) dst(%dma_wait3A_37 : memref<16x128xf32, #tpu.memory_space<hbm>>)
        tpu.yield
      }) : () -> ()
    } else {
    }
    return
  }
}

module attributes {stable_mosaic.version = 14 : i64} {
  func.func @_et_body(%arg0: i32, %arg1: memref<3200x4xf32, #tpu.memory_space<vmem>>, %arg2: memref<4x128xf32, #tpu.memory_space<vmem>>, %arg3: memref<3200x128xf32, #tpu.memory_space<vmem>>) attributes {dimension_semantics = [#tpu.dimension_semantics<arbitrary>], iteration_bounds = array<i64: 100>, scalar_prefetch = 0 : i64, scratch_operands = 0 : i64, tpu.core_type = #tpu.core_type<tc>, window_params = [{transform_indices = @transform_0, window_bounds = array<i64: 3200, 4>}, {pipeline_mode = #tpu.pipeline_mode<synchronous>, transform_indices = @transform_1, window_bounds = array<i64: 4, 128>}, {transform_indices = @transform_2, window_bounds = array<i64: 3200, 128>}]} {
    %get3A = arith.constant 0 : index
    %get3A_0 = arith.constant 0 : index
    %get3A_1 = vector.load %arg1[%get3A, %get3A_0] : memref<3200x4xf32, #tpu.memory_space<vmem>>, vector<3200x4xf32>
    %get3A_2 = arith.constant 0 : index
    %get3A_3 = arith.constant 0 : index
    %get3A_4 = vector.load %arg2[%get3A_2, %get3A_3] : memref<4x128xf32, #tpu.memory_space<vmem>>, vector<4x128xf32>
    %dot_general3A = arith.constant dense<0.000000e+00> : vector<3200x128xf32>
    %dot_general3A_5 = tpu.matmul %get3A_1, %get3A_4, %dot_general3A {dimension_numbers = #tpu.dot_dimension_numbers<[1], [0], [0], [1], [0, 0, 1, 1], [], []>, transpose_lhs_hint = false} : vector<3200x4xf32>, vector<4x128xf32>, vector<3200x128xf32> -> vector<3200x128xf32>
    %swap3A = arith.constant 0 : index
    %swap3A_6 = arith.constant 0 : index
    %swap3A_7 = vector.load %arg3[%swap3A, %swap3A_6] : memref<3200x128xf32, #tpu.memory_space<vmem>>, vector<3200x128xf32>
    tpu.vector_store %arg3[%swap3A, %swap3A_6], %dot_general3A_5 {strides = array<i32>} : memref<3200x128xf32, #tpu.memory_space<vmem>>, vector<3200x128xf32>,
    return
  }
  func.func @transform_0(%arg0: i32) -> (i32, i32) {
    %c0_i32 = arith.constant 0 : i32
    %c0_i32_0 = arith.constant 0 : i32
    return %arg0, %c0_i32 : i32, i32
  }
  func.func @transform_1(%arg0: i32) -> (i32, i32) {
    %c0_i32 = arith.constant 0 : i32
    %c0_i32_0 = arith.constant 0 : i32
    %c0_i32_1 = arith.constant 0 : i32
    return %c0_i32, %c0_i32_0 : i32, i32
  }
  func.func @transform_2(%arg0: i32) -> (i32, i32) {
    %c0_i32 = arith.constant 0 : i32
    %c0_i32_0 = arith.constant 0 : i32
    return %arg0, %c0_i32 : i32, i32
  }
}

module attributes {stable_mosaic.version = 14 : i64} {
  func.func @_proj_body(%arg0: memref<10000x128xf32, #tpu.memory_space<vmem>>, %arg1: memref<128x128xf32, #tpu.memory_space<vmem>>, %arg2: memref<128x128xf32, #tpu.memory_space<vmem>>, %arg3: memref<10000x128xf32, #tpu.memory_space<vmem>>, %arg4: memref<10000x128xf32, #tpu.memory_space<vmem>>) attributes {dimension_semantics = [], scalar_prefetch = 0 : i64, scratch_operands = 0 : i64, tpu.core_type = #tpu.core_type<tc>} {
    %get3A = arith.constant 0 : index
    %get3A_0 = arith.constant 0 : index
    %get3A_1 = vector.load %arg0[%get3A, %get3A_0] : memref<10000x128xf32, #tpu.memory_space<vmem>>, vector<10000x128xf32>
    %get3A_2 = arith.constant 0 : index
    %get3A_3 = arith.constant 0 : index
    %get3A_4 = vector.load %arg1[%get3A_2, %get3A_3] : memref<128x128xf32, #tpu.memory_space<vmem>>, vector<128x128xf32>
    %dot_general3A = arith.constant dense<0.000000e+00> : vector<10000x128xf32>
    %dot_general3A_5 = tpu.matmul %get3A_1, %get3A_4, %dot_general3A {dimension_numbers = #tpu.dot_dimension_numbers<[1], [0], [0], [1], [0, 0, 1, 1], [], []>, transpose_lhs_hint = false} : vector<10000x128xf32>, vector<128x128xf32>, vector<10000x128xf32> -> vector<10000x128xf32>
    %swap3A = arith.constant 0 : index
    %swap3A_6 = arith.constant 0 : index
    %swap3A_7 = vector.load %arg3[%swap3A, %swap3A_6] : memref<10000x128xf32, #tpu.memory_space<vmem>>, vector<10000x128xf32>
    tpu.vector_store %arg3[%swap3A, %swap3A_6], %dot_general3A_5 {strides = array<i32>} : memref<10000x128xf32, #tpu.memory_space<vmem>>, vector<10000x128xf32>,
    %get3A_8 = arith.constant 0 : index
    %get3A_9 = arith.constant 0 : index
    %get3A_10 = vector.load %arg2[%get3A_8, %get3A_9] : memref<128x128xf32, #tpu.memory_space<vmem>>, vector<128x128xf32>
    %dot_general3A_11 = arith.constant dense<0.000000e+00> : vector<10000x128xf32>
    %dot_general3A_12 = tpu.matmul %get3A_1, %get3A_10, %dot_general3A_11 {dimension_numbers = #tpu.dot_dimension_numbers<[1], [0], [0], [1], [0, 0, 1, 1], [], []>, transpose_lhs_hint = false} : vector<10000x128xf32>, vector<128x128xf32>, vector<10000x128xf32> -> vector<10000x128xf32>
    %swap3A_13 = arith.constant 0 : index
    %swap3A_14 = arith.constant 0 : index
    %swap3A_15 = vector.load %arg4[%swap3A_13, %swap3A_14] : memref<10000x128xf32, #tpu.memory_space<vmem>>, vector<10000x128xf32>
    tpu.vector_store %arg4[%swap3A_13, %swap3A_14], %dot_general3A_12 {strides = array<i32>} : memref<10000x128xf32, #tpu.memory_space<vmem>>, vector<10000x128xf32>,
    return
  }
}

module attributes {stable_mosaic.version = 14 : i64} {
  func.func @_post_body(%arg0: i32, %arg1: memref<1000x128xf32, #tpu.memory_space<vmem>>, %arg2: memref<2x1000x128xf32, #tpu.memory_space<vmem>>, %arg3: memref<1x1x1000xi32, #tpu.memory_space<vmem>>, %arg4: memref<256x128xf32, #tpu.memory_space<vmem>>, %arg5: memref<256x1xf32, #tpu.memory_space<vmem>>, %arg6: memref<128x1xf32, #tpu.memory_space<vmem>>, %arg7: memref<1000x1xf32, #tpu.memory_space<vmem>>, %arg8: memref<64x1xf32, #tpu.memory_space<vmem>>, %arg9: memref<64x128xf32, #tpu.memory_space<vmem>>, %arg10: memref<64x1xf32, #tpu.memory_space<vmem>>) attributes {dimension_semantics = [#tpu.dimension_semantics<arbitrary>], iteration_bounds = array<i64: 10>, scalar_prefetch = 0 : i64, scratch_operands = 2 : i64, tpu.core_type = #tpu.core_type<tc>, window_params = [{transform_indices = @transform_0, window_bounds = array<i64: 1000, 128>}, {transform_indices = @transform_1, window_bounds = array<i64: 2, 1000, 128>}, {transform_indices = @transform_2, window_bounds = array<i64: 1, 1, 1000>}, {pipeline_mode = #tpu.pipeline_mode<synchronous>, transform_indices = @transform_3, window_bounds = array<i64: 256, 128>}, {pipeline_mode = #tpu.pipeline_mode<synchronous>, transform_indices = @transform_4, window_bounds = array<i64: 256, 1>}, {pipeline_mode = #tpu.pipeline_mode<synchronous>, transform_indices = @transform_5, window_bounds = array<i64: 128, 1>}, {transform_indices = @transform_6, window_bounds = array<i64: 1000, 1>}, {pipeline_mode = #tpu.pipeline_mode<synchronous>, transform_indices = @transform_7, window_bounds = array<i64: 64, 1>}]} {
    %eq3A = arith.constant 0 : i32
    %eq3A_0 = arith.cmpi eq, %arg0, %eq3A : i32
    %convert_element_type3A = arith.extui %eq3A_0 : i1 to i32
    %cond3A = arith.constant 0 : i32
    %cond3A_1 = arith.cmpi ne, %convert_element_type3A, %cond3A : i32
    scf.if %cond3A_1 {
      %broadcast_in_dim3A_70 = arith.constant 0.000000e+00 : f32
      %broadcast_in_dim3A_71 = vector.broadcast %broadcast_in_dim3A_70 : f32 to vector<64x128xf32>
      %swap3A_72 = arith.constant 0 : index
      %swap3A_73 = arith.constant 0 : index
      %swap3A_74 = vector.load %arg9[%swap3A_72, %swap3A_73] : memref<64x128xf32, #tpu.memory_space<vmem>>, vector<64x128xf32>
      tpu.vector_store %arg9[%swap3A_72, %swap3A_73], %broadcast_in_dim3A_71 {strides = array<i32>} : memref<64x128xf32, #tpu.memory_space<vmem>>, vector<64x128xf32>,
      %broadcast_in_dim3A_75 = arith.constant 0.000000e+00 : f32
      %broadcast_in_dim3A_76 = vector.broadcast %broadcast_in_dim3A_75 : f32 to vector<64x1xf32>
      %swap3A_77 = arith.constant 0 : index
      %swap3A_78 = arith.constant 0 : index
      %swap3A_79 = vector.load %arg10[%swap3A_77, %swap3A_78] : memref<64x1xf32, #tpu.memory_space<vmem>>, vector<64x1xf32>
      tpu.vector_store %arg10[%swap3A_77, %swap3A_78], %broadcast_in_dim3A_76 {strides = array<i32>} : memref<64x1xf32, #tpu.memory_space<vmem>>, vector<64x1xf32>,
    } else {
    }
    %get3A = arith.constant 0 : index
    %get3A_2 = arith.constant 0 : index
    %get3A_3 = vector.load %arg1[%get3A, %get3A_2] : memref<1000x128xf32, #tpu.memory_space<vmem>>, vector<1000x128xf32>
    %get3A_4 = arith.constant 0 : index
    %get3A_5 = arith.constant 0 : index
    %get3A_6 = arith.constant 0 : index
    %get3A_7 = vector.load %arg2[%get3A_4, %get3A_5, %get3A_6] : memref<2x1000x128xf32, #tpu.memory_space<vmem>>, vector<1x1000x128xf32>
    %get3A_8 = vector.shape_cast %get3A_7 : vector<1x1000x128xf32> to vector<1000x128xf32>
    %get3A_9 = arith.constant 1 : index
    %get3A_10 = arith.constant 0 : index
    %get3A_11 = arith.constant 0 : index
    %get3A_12 = vector.load %arg2[%get3A_9, %get3A_10, %get3A_11] : memref<2x1000x128xf32, #tpu.memory_space<vmem>>, vector<1x1000x128xf32>
    %get3A_13 = vector.shape_cast %get3A_12 : vector<1x1000x128xf32> to vector<1000x128xf32>
    %add3A = arith.addf %get3A_8, %get3A_13 : vector<1000x128xf32>
    %get3A_14 = arith.constant 0 : index
    %get3A_15 = arith.constant 0 : index
    %get3A_16 = vector.load %arg4[%get3A_14, %get3A_15] : memref<256x128xf32, #tpu.memory_space<vmem>>, vector<128x128xf32>
    %dot_general3A = arith.constant dense<0.000000e+00> : vector<1000x128xf32>
    %dot_general3A_17 = tpu.matmul %get3A_3, %get3A_16, %dot_general3A {dimension_numbers = #tpu.dot_dimension_numbers<[1], [0], [0], [1], [0, 0, 1, 1], [], []>, transpose_lhs_hint = false} : vector<1000x128xf32>, vector<128x128xf32>, vector<1000x128xf32> -> vector<1000x128xf32>
    %get3A_18 = arith.constant 128 : index
    %get3A_19 = arith.constant 0 : index
    %get3A_20 = vector.load %arg4[%get3A_18, %get3A_19] : memref<256x128xf32, #tpu.memory_space<vmem>>, vector<128x128xf32>
    %dot_general3A_21 = arith.constant dense<0.000000e+00> : vector<1000x128xf32>
    %dot_general3A_22 = tpu.matmul %add3A, %get3A_20, %dot_general3A_21 {dimension_numbers = #tpu.dot_dimension_numbers<[1], [0], [0], [1], [0, 0, 1, 1], [], []>, transpose_lhs_hint = false} : vector<1000x128xf32>, vector<128x128xf32>, vector<1000x128xf32> -> vector<1000x128xf32>
    %add3A_23 = arith.addf %dot_general3A_17, %dot_general3A_22 : vector<1000x128xf32>
    %max3A = arith.constant 0.000000e+00 : f32
    %max3A_24 = vector.broadcast %max3A : f32 to vector<1000x128xf32>
    %max3A_25 = arith.maximumf %add3A_23, %max3A_24 : vector<1000x128xf32>
    %get3A_26 = arith.constant 0 : index
    %get3A_27 = arith.constant 0 : index
    %get3A_28 = vector.load %arg5[%get3A_26, %get3A_27] : memref<256x1xf32, #tpu.memory_space<vmem>>, vector<128x1xf32>
    %dot_general3A_29 = arith.constant dense<0.000000e+00> : vector<1000x1xf32>
    %dot_general3A_30 = tpu.matmul %get3A_3, %get3A_28, %dot_general3A_29 {dimension_numbers = #tpu.dot_dimension_numbers<[1], [0], [0], [1], [0, 0, 1, 1], [], []>, transpose_lhs_hint = false} : vector<1000x128xf32>, vector<128x1xf32>, vector<1000x1xf32> -> vector<1000x1xf32>
    %get3A_31 = arith.constant 128 : index
    %get3A_32 = arith.constant 0 : index
    %get3A_33 = vector.load %arg5[%get3A_31, %get3A_32] : memref<256x1xf32, #tpu.memory_space<vmem>>, vector<128x1xf32>
    %dot_general3A_34 = arith.constant dense<0.000000e+00> : vector<1000x1xf32>
    %dot_general3A_35 = tpu.matmul %max3A_25, %get3A_33, %dot_general3A_34 {dimension_numbers = #tpu.dot_dimension_numbers<[1], [0], [0], [1], [0, 0, 1, 1], [], []>, transpose_lhs_hint = false} : vector<1000x128xf32>, vector<128x1xf32>, vector<1000x1xf32> -> vector<1000x1xf32>
    %add3A_36 = arith.addf %dot_general3A_30, %dot_general3A_35 : vector<1000x1xf32>
    %swap3A = arith.constant 0 : index
    %swap3A_37 = arith.constant 0 : index
    %swap3A_38 = vector.load %arg7[%swap3A, %swap3A_37] : memref<1000x1xf32, #tpu.memory_space<vmem>>, vector<1000x1xf32>
    tpu.vector_store %arg7[%swap3A, %swap3A_37], %add3A_36 {strides = array<i32>} : memref<1000x1xf32, #tpu.memory_space<vmem>>, vector<1000x1xf32>,
    %get3A_39 = arith.constant 0 : index
    %get3A_40 = arith.constant 0 : index
    %get3A_41 = arith.constant 0 : index
    %get3A_42 = vector.load %arg3[%get3A_39, %get3A_40, %get3A_41] : memref<1x1x1000xi32, #tpu.memory_space<vmem>>, vector<1x1x1000xi32>
    %get3A_43 = vector.shape_cast %get3A_42 : vector<1x1x1000xi32> to vector<1x1000xi32>
    %iota3A = tpu.iota {dimensions = array<i32: 0>} : vector<64x1000xi32>
    %eq3A_44 = vector.broadcast %get3A_43 : vector<1x1000xi32> to vector<64x1000xi32>
    %eq3A_45 = arith.cmpi eq, %eq3A_44, %iota3A : vector<64x1000xi32>
    %convert_element_type3A_46 = arith.extui %eq3A_45 : vector<64x1000xi1> to vector<64x1000xi32>
    %convert_element_type3A_47 = arith.sitofp %convert_element_type3A_46 : vector<64x1000xi32> to vector<64x1000xf32>
    %get3A_48 = arith.constant 0 : index
    %get3A_49 = arith.constant 0 : index
    %get3A_50 = vector.load %arg9[%get3A_48, %get3A_49] : memref<64x128xf32, #tpu.memory_space<vmem>>, vector<64x128xf32>
    %dot_general3A_51 = arith.constant dense<0.000000e+00> : vector<64x128xf32>
    %dot_general3A_52 = tpu.matmul %convert_element_type3A_47, %max3A_25, %dot_general3A_51 {dimension_numbers = #tpu.dot_dimension_numbers<[1], [0], [0], [1], [0, 0, 1, 1], [], []>, precision = #tpu.contract_precision<fp32>, transpose_lhs_hint = false} : vector<64x1000xf32>, vector<1000x128xf32>, vector<64x128xf32> -> vector<64x128xf32>
    %add3A_53 = arith.addf %get3A_50, %dot_general3A_52 : vector<64x128xf32>
    %swap3A_54 = arith.constant 0 : index
    %swap3A_55 = arith.constant 0 : index
    %swap3A_56 = vector.load %arg9[%swap3A_54, %swap3A_55] : memref<64x128xf32, #tpu.memory_space<vmem>>, vector<64x128xf32>
    tpu.vector_store %arg9[%swap3A_54, %swap3A_55], %add3A_53 {strides = array<i32>} : memref<64x128xf32, #tpu.memory_space<vmem>>, vector<64x128xf32>,
    %get3A_57 = arith.constant 0 : index
    %get3A_58 = arith.constant 0 : index
    %get3A_59 = vector.load %arg10[%get3A_57, %get3A_58] : memref<64x1xf32, #tpu.memory_space<vmem>>, vector<64x1xf32>
    %reduce_sum3A = arith.constant dense<0.000000e+00> : vector<64xf32>
    %reduce_sum3A_60 = vector.multi_reduction <add>, %convert_element_type3A_47, %reduce_sum3A [1] : vector<64x1000xf32> to vector<64xf32>
    %broadcast_in_dim3A = vector.shape_cast %reduce_sum3A_60 : vector<64xf32> to vector<64x1xf32>
    %add3A_61 = arith.addf %get3A_59, %broadcast_in_dim3A : vector<64x1xf32>
    %swap3A_62 = arith.constant 0 : index
    %swap3A_63 = arith.constant 0 : index
    %swap3A_64 = vector.load %arg10[%swap3A_62, %swap3A_63] : memref<64x1xf32, #tpu.memory_space<vmem>>, vector<64x1xf32>
    tpu.vector_store %arg10[%swap3A_62, %swap3A_63], %add3A_61 {strides = array<i32>} : memref<64x1xf32, #tpu.memory_space<vmem>>, vector<64x1xf32>,
    %eq3A_65 = arith.constant 9 : i32
    %eq3A_66 = arith.cmpi eq, %arg0, %eq3A_65 : i32
    %convert_element_type3A_67 = arith.extui %eq3A_66 : i1 to i32
    %cond3A_68 = arith.constant 0 : i32
    %cond3A_69 = arith.cmpi ne, %convert_element_type3A_67, %cond3A_68 : i32
    scf.if %cond3A_69 {
      %get3A_70 = arith.constant 0 : index
      %get3A_71 = arith.constant 0 : index
      %get3A_72 = vector.load %arg9[%get3A_70, %get3A_71] : memref<64x128xf32, #tpu.memory_space<vmem>>, vector<64x128xf32>
      %get3A_73 = arith.constant 0 : index
      %get3A_74 = arith.constant 0 : index
      %get3A_75 = vector.load %arg10[%get3A_73, %get3A_74] : memref<64x1xf32, #tpu.memory_space<vmem>>, vector<64x1xf32>
      %max3A_76 = arith.constant 1.000000e+00 : f32
      %max3A_77 = vector.broadcast %max3A_76 : f32 to vector<64x1xf32>
      %max3A_78 = arith.maximumf %get3A_75, %max3A_77 : vector<64x1xf32>
      %div3A = vector.broadcast %max3A_78 : vector<64x1xf32> to vector<64x128xf32>
      %div3A_79 = arith.divf %get3A_72, %div3A : vector<64x128xf32>
      %get3A_80 = arith.constant 0 : index
      %get3A_81 = arith.constant 0 : index
      %get3A_82 = vector.load %arg6[%get3A_80, %get3A_81] : memref<128x1xf32, #tpu.memory_space<vmem>>, vector<128x1xf32>
      %dot_general3A_83 = arith.constant dense<0.000000e+00> : vector<64x1xf32>
      %dot_general3A_84 = tpu.matmul %div3A_79, %get3A_82, %dot_general3A_83 {dimension_numbers = #tpu.dot_dimension_numbers<[1], [0], [0], [1], [0, 0, 1, 1], [], []>, transpose_lhs_hint = false} : vector<64x128xf32>, vector<128x1xf32>, vector<64x1xf32> -> vector<64x1xf32>
      %swap3A_85 = arith.constant 0 : index
      %swap3A_86 = arith.constant 0 : index
      %swap3A_87 = vector.load %arg8[%swap3A_85, %swap3A_86] : memref<64x1xf32, #tpu.memory_space<vmem>>, vector<64x1xf32>
      tpu.vector_store %arg8[%swap3A_85, %swap3A_86], %dot_general3A_84 {strides = array<i32>} : memref<64x1xf32, #tpu.memory_space<vmem>>, vector<64x1xf32>,
    } else {
    }
    return
  }
  func.func @transform_0(%arg0: i32) -> (i32, i32) {
    %c0_i32 = arith.constant 0 : i32
    %c0_i32_0 = arith.constant 0 : i32
    return %arg0, %c0_i32 : i32, i32
  }
  func.func @transform_1(%arg0: i32) -> (i32, i32, i32) {
    %c0_i32 = arith.constant 0 : i32
    %c0_i32_0 = arith.constant 0 : i32
    %c0_i32_1 = arith.constant 0 : i32
    return %c0_i32, %arg0, %c0_i32_0 : i32, i32, i32
  }
  func.func @transform_2(%arg0: i32) -> (i32, i32, i32) {
    %c0_i32 = arith.constant 0 : i32
    %c0_i32_0 = arith.constant 0 : i32
    %c0_i32_1 = arith.constant 0 : i32
    return %arg0, %c0_i32, %c0_i32_0 : i32, i32, i32
  }
  func.func @transform_3(%arg0: i32) -> (i32, i32) {
    %c0_i32 = arith.constant 0 : i32
    %c0_i32_0 = arith.constant 0 : i32
    %c0_i32_1 = arith.constant 0 : i32
    return %c0_i32, %c0_i32_0 : i32, i32
  }
  func.func @transform_4(%arg0: i32) -> (i32, i32) {
    %c0_i32 = arith.constant 0 : i32
    %c0_i32_0 = arith.constant 0 : i32
    %c0_i32_1 = arith.constant 0 : i32
    return %c0_i32, %c0_i32_0 : i32, i32
  }
  func.func @transform_5(%arg0: i32) -> (i32, i32) {
    %c0_i32 = arith.constant 0 : i32
    %c0_i32_0 = arith.constant 0 : i32
    %c0_i32_1 = arith.constant 0 : i32
    return %c0_i32, %c0_i32_0 : i32, i32
  }
  func.func @transform_6(%arg0: i32) -> (i32, i32) {
    %c0_i32 = arith.constant 0 : i32
    %c0_i32_0 = arith.constant 0 : i32
    return %arg0, %c0_i32 : i32, i32
  }
  func.func @transform_7(%arg0: i32) -> (i32, i32) {
    %c0_i32 = arith.constant 0 : i32
    %c0_i32_0 = arith.constant 0 : i32
    %c0_i32_1 = arith.constant 0 : i32
    return %c0_i32, %c0_i32_0 : i32, i32
  }
}

</mosaic_0001>

<sc_bundles>
// kernel: kernel.6.cloned.1.call-start
scs
__scs_entry_jumppad:
0x0: {  	(pc) =	sbr.rel $0x88, $3  }
0x1: {  	(tag) =	ssettag $0x0;
	lr =	simm.s32 $0x1  }
0x2: {  	[smem:$0x3F99] =	sst lr;
	_ =	strace $0xD0000000  }
0x3: {  	_ = 	snop  }
0x4: {  	_ = 	snop  }
0x5: {  	_ = 	snop  }
0x6: {  	_ = 	snop  }
0x7: {  	_ = 	snop  }
__scs_overlays_trampoline_lowered:
0x8: {  	[smem:$0x3FA8] =	sst s0  }
0x9: {  	[smem:$0x3FA9] =	sst s1  }
0xa: {  	[smem:$0x3FAA] =	sst s2  }
0xb: {  	[smem:$0x3FAB] =	sst s3  }
0xc: {  	[smem:$0x3FAC] =	sst s4  }
0xd: {  	[smem:$0x3FAD] =	sst s5  }
0xe: {  	[smem:$0x3FAE] =	sst s6  }
0xf: {  	[smem:$0x3FAF] =	sst s7  }
0x10: {  	[smem:$0x3FB0] =	sst s8  }
0x11: {  	[smem:$0x3FB1] =	sst s9;
	s0 =	simm.s32 @!p0 $0x0  }
0x12: {  	s1 =	sld [smem:$0x3F97];
	s0 =	simm.s32 @p0 $0x1  }
0x13: {  	[smem:$0x3FB2] =	sst s0;
	s0 =	simm.s32 @!p1 $0x0  }
0x14: {  	s2 =	sld [smem:$0x3F96];
	s0 =	simm.s32 @p1 $0x1  }
0x15: {  	[smem:$0x3FB3] =	sst s0;
	s0 =	simm.s32 @!p2 $0x0  }
0x16: {  	s3 =	sld [smem:$0x3FDB];
	s0 =	simm.s32 @p2 $0x1  }
0x17: {  	s4 =	simm.s32 $0x1BF5;
	[smem:$0x3FB5] =	sst s0  }
0x18: {  	s0 =	sld [smem:$0x3F98];
	_ =	swait.ge [sflag:s4], $0x0  }
0x19: {  	s7 =	sld [smem:$0x3F99]  }
0x1a: {  	s8 =	sadd.s32 $0xFFFFE003, lr  }
0x1b: {  	s9 =	sadd.s32 $0xFFFFFEF7, lr;
	s5 =	simm.s32 $0xFFFFFFFF;
	p2 =	slt.u32 s8, $0xFFFFF086  }
0x1c: {  	p1 =	slt.u32 s9, $0xF7A;
	s5 =	simm.s32 @!p2 $0x0  }
0x1d: {  	s5 =	simm.s32 @p1 $0x1;
	p0 =	seq.s32 s7, s2  }
0x1e: {  	s7 =	smul.u32 @!p0 $0xF7A, s2;
	p2 =	seq.s32 @!p0 s5, $0x0  }
0x1f: {  	s9 =	smul.u32 $0xF7A, s1;
	s8 =	simm.s32 @!p0 $0x1BF5;
	p2 =	por !p2, p0  }
0x20: {  	[sflag:s8] =	ssyncset.s32 @!p0 $0xFFFFF086;
	s6 =	sadd.s32 @!p0 s3, s7;
	s7 =	simm.s32 @!p0 $0x108  }
0x21: {  	s3 =	sadd.s32 s3, s9;
	s6 =	sadd.s32 @!p0 $0x88, s6;
	s7 =	simm.s32 @p2 $0x1082  }
0x22: {  	[simem:s7], [sflag:s8] =	dma.local @!p0 [hbm:s6], $0xF7A  }
0x23: {  	s9 =	sor.u32 $0xD0000000, s2;
	s6 =	simm.s32 $0x108;
	_ =	swait.ge @!p0 [sflag:s8], $0x0  }
0x24: {  	s3 =	sadd.s32 $0x88, s3;
	s6 =	simm.s32 @!p1 $0x1082;
	[sflag:s4] =	ssyncset.s32 $0xFFFFF086  }
0x25: {  	[simem:s6], [sflag:s4] =	dma.local [hbm:s3], $0xF7A  }
0x26: {  	[smem:$0x3F99] =	sst s1;
	(tag) =	ssettag s2;
	_ =	strace s9  }
0x27: {  	s1 =	sld [smem:$0x3FA9]  }
0x28: {  	s2 =	sld [smem:$0x3FAA]  }
0x29: {  	s4 =	sld [smem:$0x3FAC]  }
0x2a: {  	p0 =	seq.s32 s5, $0x0;
	s5 =	sld [smem:$0x3FAD]  }
0x2b: {  	s6 =	sld [smem:$0x3FAE]  }
0x2c: {  	s7 =	sld [smem:$0x3FAF]  }
0x2d: {  	s3 =	simm.s32 $0x108;
	s8 =	sld [smem:$0x3FB0]  }
0x2e: {  	s3 =	simm.s32 @!p0 $0x1082;
	s9 =	sld [smem:$0x3FB1]  }
0x2f: {  	lr =	sadd.s32 s0, s3;
	s0 =	sld [smem:$0x3FA8]  }
0x30: {  	s3 =	sld [smem:$0x3FAB]  }
0x31: {  	[smem:$0x3FB4] =	sst s10  }
0x32: {  	s10 =	sld [smem:$0x3FB2];
	_ =	sdelay $0x3  }
0x33: {  	p0 =	seq.s32 s10, $0x1;
	s10 =	sld [smem:$0x3FB4];
	_ =	sdelay $0x3  }
0x34: {  	[smem:$0x3FB4] =	sst s10  }
0x35: {  	s10 =	sld [smem:$0x3FB3];
	_ =	sdelay $0x3  }
0x36: {  	p1 =	seq.s32 s10, $0x1;
	s10 =	sld [smem:$0x3FB4];
	_ =	sdelay $0x3  }
0x37: {  	[smem:$0x3FB4] =	sst s10  }
0x38: {  	s10 =	sld [smem:$0x3FB5]  }
0x39: {  	_ = 	snop;
	(pc) =	sbr.ind lr, $3  }
0x3a: {  	_ = 	snop  }
0x3b: {  	_ = 	snop  }
0x3c: {  	p2 =	seq.s32 s10, $0x1;
	s10 =	sld [smem:$0x3FB4]  }
0x3d: {  	_ =	shalt  }
0x3e: {  	_ =	shalt  }
0x3f: {  	_ =	shalt  }
0x40: {  	_ =	shalt  }
0x41: {  	_ =	shalt  }
0x42: {  	_ =	shalt  }
0x43: {  	_ =	shalt  }
0x44: {  	_ =	shalt  }
0x45: {  	_ =	shalt  }
0x46: {  	_ =	shalt  }
0x47: {  	_ =	shalt  }
0x48: {  	_ =	shalt  }
0x49: {  	_ =	shalt  }
0x4a: {  	_ =	shalt  }
0x4b: {  	_ =	shalt  }
0x4c: {  	_ =	shalt  }
0x4d: {  	_ =	shalt  }
0x4e: {  	_ =	shalt  }
0x4f: {  	_ =	shalt  }
0x50: {  	_ =	shalt  }
0x51: {  	_ =	shalt  }
0x52: {  	_ =	shalt  }
0x53: {  	_ =	shalt  }
0x54: {  	_ =	shalt  }
0x55: {  	_ =	shalt  }
0x56: {  	_ =	shalt  }
0x57: {  	_ =	shalt  }
0x58: {  	_ =	shalt  }
0x59: {  	_ =	shalt  }
0x5a: {  	_ =	shalt  }
0x5b: {  	_ =	shalt  }
0x5c: {  	_ =	shalt  }
0x5d: {  	_ =	shalt  }
0x5e: {  	_ =	shalt  }
0x5f: {  	_ =	shalt  }
0x60: {  	_ =	shalt  }
0x61: {  	_ =	shalt  }
0x62: {  	_ =	shalt  }
0x63: {  	_ =	shalt  }
0x64: {  	_ =	shalt  }
0x65: {  	_ =	shalt  }
0x66: {  	_ =	shalt  }
0x67: {  	_ =	shalt  }
0x68: {  	_ =	shalt  }
0x69: {  	_ =	shalt  }
0x6a: {  	_ =	shalt  }
0x6b: {  	_ =	shalt  }
0x6c: {  	_ =	shalt  }
0x6d: {  	_ =	shalt  }
0x6e: {  	_ =	shalt  }
0x6f: {  	_ =	shalt  }
0x70: {  	_ =	shalt  }
0x71: {  	_ =	shalt  }
0x72: {  	_ =	shalt  }
0x73: {  	_ =	shalt  }
0x74: {  	_ =	shalt  }
0x75: {  	_ =	shalt  }
0x76: {  	_ =	shalt  }
0x77: {  	_ =	shalt  }
0x78: {  	_ =	shalt  }
0x79: {  	_ =	shalt  }
0x7a: {  	_ =	shalt  }
0x7b: {  	_ =	shalt  }
0x7c: {  	_ =	shalt  }
0x7d: {  	_ =	shalt  }
0x7e: {  	_ =	shalt  }
0x7f: {  	_ =	shalt  }
0x80: {  	_ =	shalt  }
0x81: {  	_ =	shalt  }
0x82: {  	_ =	shalt  }
0x83: {  	_ =	shalt  }
0x84: {  	_ =	shalt  }
0x85: {  	_ =	shalt  }
0x86: {  	_ =	shalt  }
0x87: {  	_ =	shalt  }
.Lfunc_end0:
.L_simem_size_0:
called_computation_lowered:
.L_overlay_start_0:
0x88: {  	s2 =	sld [smem:$0x3FD9]  }
0x89: {  	s3 =	sld [smem:$0x3FFE];
	_ =	sdelay $0x1  }
0x8a: {  	s1 =	srdreg.scid  }
0x8b: {  	s0 =	sand.u32 $0x1, s1  }
0x8c: {  	s16 =	sshll.u32 s0, $0xA;
	s2 =	sadd.s32 s3, s2  }
0x8d: {  	s2 =	sadd.s32 s2, s16  }
0x8e: {  	[smem:$0x3FC0] =	sst s2  }
0x8f: {  	_ = 	snop  }
0x90: {  	(tm) =	ssettm $0x1  }
0x91: {  	s17 =	sld [smem:$0x3FFB];
	_ =	sdelay $0x3  }
0x92: {  	_ =	strace s17  }
0x93: {  	s2 =	sld [smem:$0x3FFC];
	_ =	sdelay $0x3  }
0x94: {  	_ =	strace s2  }
0x95: {  	s2 =	sld [smem:$0x3FFD];
	_ =	sdelay $0x3  }
0x96: {  	_ =	strace s2  }
0x97: {  	_ =	strace $0x8FFFFFFF  }
0x98: {  	s18 =	sld [smem:$0x3FDB];
	_ =	sdelay $0x1  }
0x99: {  	s19 =	simm.s32 $_scs_section_size  }
0x9a: {  	s4 =	simm.s32 $_size__tile_overlayer_lowered;
	s5 =	simm.s32 $_tile_overlayer_lowered  }
0x9b: {  	s22 =	simm.s32 $0x1BFF;
	s21 =	sshll.u32 s5, $0x1;
	s2 =	sadd.s32 s19, s18  }
0x9c: {  	s6 =	simm.s32 $0x0;
	s20 =	sshll.u32 s4, $0x1;
	s4 =	sadd.s32 s21, s2  }
0x9d: {  	[timem:s6], [sflag:s22] =	dma.local [hbm:s4], s20  }
0x9e: {  	_ =	swait.ge [sflag:s22], s20  }
0x9f: {  	s3 =	ssub.s32 $0x0, s20;
	[sflag:s22] =	ssyncset.done $0x0  }
0xa0: {  	[sflag:s22] =	ssyncadd.s32 s3;
	_ =	sdelay $0x1  }
0xa1: {  	s23 =	simm.s32 $0x1B8B  }
0xa2: {  	_ =	swait.ge [sflag:s23], $0x1  }
0xa3: {  	[sflag:s23] =	ssyncset.done $0x0  }
0xa4: {  	s25 =	simm.s32 $0x1B8E;
	s24 =	sld [smem:$0x3FFE];
	[sflag:s23] =	ssyncadd.s32 $0xFFFFFFFF  }
0xa5: {  	s26 =	simm.s32 $execute0_lowered;
	[smem:$0x3FD2] =	sst s25  }
0xa6: {  	s4 =	sshll.u32 s26, $0x1;
	_ =	strace $0x80000046;
	[dreg:$0x1] =	wrdreg $0xFFFFFFFF  }
0xa7: {  	s28 =	simm.s32 $_size_execute0_lowered;
	s2 =	sadd.s32 s2, s4;
	[dreg:$0x0] =	wrdreg $0x0  }
0xa8: {  	s4 =	sshll.u32 s28, $0x1;
	[dreg:$0x2] =	wrdreg s2  }
0xa9: {  	[dreg:$0x3] =	wrdreg s4  }
0xaa: {  	[dreg:$0x4] =	wrdreg $0xC0  }
0xab: {  	_ =	task [dreg:s6], $0x5FFFF  }
0xac: {  	[dreg:$0x1] =	wrdreg $0xFFFFFFFF  }
0xad: {  	[dreg:$0x0] =	wrdreg $0x60  }
0xae: {  	[dreg:$0x2] =	wrdreg s24  }
0xaf: {  	[dreg:$0x3] =	wrdreg $0x0  }
0xb0: {  	[dreg:$0x4] =	wrdreg $0x9  }
0xb1: {  	_ =	task.clear_ibuf [dreg:s6], $0x5FFFF;
	_ =	strace $0x90000046  }
0xb2: {  	s29 =	simm.s32 $0x9;
	_ =	strace $0x80000048  }
0xb3: {  	_ =	swait.ge [sflag:s29], $0x1  }
0xb4: {  	[sflag:s29] =	ssyncadd.s32 $0xFFFFFFFF  }
0xb5: {  	_ =	strace $0x90000048  }
0xb6: {  	_ =	sfence  }
0xb7: {  	s30 =	sld [smem:$0x0];
	_ =	sdelay $0x2  }
0xb8: {  	s31 =	sshll.u32 s1, $0xD;
	s1 =	sshrl.u32 s1, $0x2  }
0xb9: {  	s3 =	sand.u32 $0x4000, s31;
	s1 =	sadd.s32 s1, s30  }
0xba: {  	s0 =	sor.u32 s3, s0;
	s1 =	sshll.u32 s1, $0x11  }
0xbb: {  	s0 =	sor.u32 s1, s0  }
0xbc: {  	s0 =	sadd.s32 $0x8F2B, s0  }
0xbd: {  	[sflag:s0] =	ssyncadd.remote.s32 $0x1  }
0xbe: {  	_ =	sfence.sel $0xFFFF  }
0xbf: {  	[dreg:$0x0] =	wrdreg $0xFFFFFFFF;
	(pc) =	sbr.abs _section_cstart, $3  }
0xc0: {  	[dreg:$0x1] =	wrdreg $0xFFFFFFFF  }
0xc1: {  	_ =	task.clear_ibuf [dreg:s6], $0x2FFFF;
	_ =	strace $0x9FFFFFFF  }
0xc2: {  	(tm) =	ssettm $0x7FFFFFFF  }
0xc3: {  	_ =	shalt  }
tec
execute0_lowered:
.L_overlay_start_1:
0x0: {  	(tag) =	ssettag $0x1  }
0x1: {  	s0 =	rddreg [dreg:$0x0]  }
0x2: {  	s1 =	rddreg [dreg:$0x1]  }
0x3: {  	s2 =	simm.s32 $0x0;
	s16 =	stileid.u32;
	s9 =	srdreg.scid  }
0x4: {  	s28 =	simm.s32 $0x1BA80;
	s29 =	simm.s32 $0x13980;
	s30 =	simm.s32 $0x8  }
0x5: {  	s31 =	simm.s32 $0x13A00;
	[smem:$0x7FF] =	sst s2;
	s3 =	sadd.s32 $0x28800, s0  }
0x6: {  	s4 =	sadd.s32 $0x1600, s0;
	s5 =	sadd.s32 $0x4F7200, s0;
	s8 =	smul.u32 $0x13800, s16  }
0x7: {  	s6 =	sadd.s32 $0x4ED400, s0;
	s7 =	sadd.s32 $0x4E3600, s0;
	s10 =	sand.u32 $0x1, s9  }
0x8: {  	s12 =	smul.u32 $0x4E000, s16;
	s13 =	sadd.s32 $0x76C00, s0;
	s15 =	sshll.u32 s16, $0x6  }
0x9: {  	s19 =	sadd.s32 $0x138000, s1;
	p0 =	sne.s32 s16, $0x0;
	_ =	strace $0x80000047  }
0xa: {  	s11 =	ssub.s32 $0x2, s10;
	s18 =	sshll.u32 s10, $0x4;
	[dreg:$0x5] =	wrdreg s19  }
0xb: {  	s10 =	smul.u32 $0x138800, s10;
	s17 =	sshrl.u32 s8, $0x3;
	s14 =	sshrl.u32 s11, $0x1  }
0xc: {  	s12 =	sshrl.u32 s12, $0x2;
	s9 =	sadd.s32 s17, s0;
	s11 =	ssub.s32 s11, s14  }
0xd: {  	s14 =	sor.u32 s16, s18;
	s12 =	sadd.s32 s12, s1;
	s0 =	sadd.s32 $0x76A00, s0  }
0xe: {  	s23 =	sadd.s32 s8, s10;
	s24 =	sshrl.u32 s10, $0x3;
	s10 =	simm.s32 $0x2  }
0xf: {  	s18 =	simm.s32 $0x0;
	s9 =	sadd.s32 $0x4FA00, s9;
	[dreg:$0x6] =	wrdreg s0  }
0x10: {  	s20 =	sshll.u32 s14, $0x3;
	s22 =	sshll.u32 s14, $0xA;
	s8 =	sadd.s32 s13, s24  }
0x11: {  	s26 =	smax.u32 s11, $0x1;
	s19 =	sor.u32 $0x20, s14;
	s17 =	sshrl.u32 s12, $0x3  }
0x12: {  	s24 =	simm.s32 $0x40;
	p1 =	sgt.u32 s14, $0x7;
	s11 =	simm.s32 $0x5  }
0x13: {  	s12 =	simm.s32 $0x3;
	[dreg:$0x3] =	wrdreg s9;
	s9 =	sor.u32 $0x1C07, s15  }
0x14: {  	s21 =	sadd.s32 s6, s20;
	s0 =	sadd.s32 s7, s20;
	[dreg:$0xc] =	wrdreg s26  }
0x15: {  	s15 =	sor.u32 $0x40, s14;
	s25 =	sadd.s32 $0x27000, s8;
	[dreg:$0xd] =	wrdreg s17  }
0x16: {  	s26 =	simm.s32 $0x1DA80;
	s8 =	simm.s32 $0x1;
	[dreg:$0x7] =	wrdreg s21  }
.Ltmp0:
0x17: {  	s14 =	simm.s32 $0x6;
	[dreg:$0x8] =	wrdreg s0;
	(pc) =	sbr.rel .LBB2_1-.Ltmp0, $4  }
0x18: {  	s0 =	sadd.s32 s5, s22;
	[dreg:$0xb] =	wrdreg s25;
	s21 =	simm.s32 $0x7  }
0x19: {  	s25 =	simm.s32 $0x19A80;
	[dreg:$0x9] =	wrdreg s0;
	s0 =	sshrl.u32 s23, $0x3  }
0x1a: {  	[dreg:$0x4] =	wrdreg s9;
	s23 =	simm.s32 $0x13900;
	s0 =	sadd.s32 s13, s0  }
0x1b: {  	s13 =	simm.s32 $0x4;
	[dreg:$0xa] =	wrdreg s0;
	s0 =	simm.s32 $0x17A80  }
.LBB2_11:
0x1c: {  	[bflag:$0x0] =	sbarrier.arrive $0xFFFF  }
0x1d: {  	s9 =	rddreg [dreg:$0x4]  }
0x1e: {  	s2 =	rddreg [dreg:$0xa]  }
0x1f: {  	s17 =	rddreg [dreg:$0xd]  }
0x20: {  	[hbm:s2], [sflag:s9] =	dma.local [spmem:s17], $0x2700  }
0x21: {  	_ =	swait.ge [sflag:s21], $0x2700  }
0x22: {  	[sflag:s21] =	ssyncset.done $0x0;
	s2 =	rddreg [dreg:$0xb]  }
0x23: {  	s16 =	rddreg [dreg:$0xf];
	[sflag:s21] =	ssyncadd.s32 $0xFFFFD900  }
0x24: {  	[hbm:s2], [sflag:s9] =	dma.local @!p0 [spmem:s16], $0x100  }
0x25: {  	s2 =	simm.s32 @!p0 $0x7  }
0x26: {  	_ =	swait.ge @!p0 [sflag:s2], $0x100  }
0x27: {  	s18 =	sadd.s32 $0x1, s18;
	s22 =	rddreg [dreg:$0xc]  }
0x28: {  	p2 =	sne.s32 s18, s22  }
.Ltmp1:
0x29: {  	_ = 	snop;
	(pc) =	sbr.rel @!p2 .LBB2_12-.Ltmp1, $3  }
0x2a: {  	_ =	sdelay $0x1  }
0x2b: {  	[sflag:s2] =	ssyncset.done @!p0 $0x0  }
0x2c: {  	[sflag:s2] =	ssyncadd.s32 @!p0 $0xFFFFFF00  }
.LBB2_1:
0x2d: {  	[dreg:$0xe] =	wrdreg s18  }
0x2e: {  	s2 =	rddreg [dreg:$0x3]  }
0x2f: {  	[spmem:s17], [sflag:s9] =	dma.local [hbm:s2], $0x2700  }
0x30: {  	_ =	swait.ge [sflag:s21], $0x2700  }
0x31: {  	s2 =	rddreg [dreg:$0x5]  }
0x32: {  	[sflag:s21] =	ssyncset.done $0x0;
	s16 =	sshrl.u32 @!p0 s2, $0x3;
	s2 =	rddreg [dreg:$0x6]  }
0x33: {  	[sflag:s21] =	ssyncadd.s32 $0xFFFFD900;
	[dreg:$0xf] =	wrdreg s16  }
0x34: {  	[spmem:s16], [sflag:s9] =	dma.local @!p0 [hbm:s2], $0x100  }
0x35: {  	s2 =	simm.s32 @!p0 $0x7  }
0x36: {  	_ =	swait.ge @!p0 [sflag:s2], $0x100  }
0x37: {  	[sflag:s2] =	ssyncset.done @!p0 $0x0  }
0x38: {  	[sflag:s2] =	ssyncadd.s32 @!p0 $0xFFFFFF00  }
0x39: {  	[bflag:$0x0] =	sbarrier.arrive $0xFFFF  }
0x3a: {  	s22 =	simm.s32 $0x13880;
	s2 =	simm.s32 $0x0;
	s20 =	rddreg [dreg:$0x7]  }
0x3b: {  	[tilespmem:s22], [sflag:$0x7] =	stream.linear.gather [hbm4b:s20+s2], $0x40, $0x38;
	[tilespmem:$0x1FA80] =	vst v63  }
0x3c: {  	_ =	swait.ge [sflag:s21], $0x40  }
0x3d: {  	[sflag:s21] =	ssyncset.done $0x0  }
0x3e: {  	s17 =	rddreg [dreg:$0x8];
	[sflag:s21] =	ssyncadd.s32 $0xFFFFFFC0  }
0x3f: {  	[tilespmem:s23], [sflag:$0x7] =	stream.linear.gather [hbm4b:s17+s2], $0x40, $0x38;
	[tilespmem:$0x1FA80] =	vst v63  }
0x40: {  	_ =	swait.ge [sflag:s21], $0x40  }
0x41: {  	[sflag:s21] =	ssyncset.done $0x0  }
0x42: {  	s18 =	simm.s32 $0x13A80;
	[sflag:s21] =	ssyncadd.s32 $0xFFFFFFC0  }
0x43: {  	[tilespmem:s18], [sflag:$0x1] =	stream.indirect.gather [hbm4b:s3+s24], $0x80, s22, s24, $0xb8;
	[tilespmem:$0x1FA80] =	vst v63  }
0x44: {  	s20 =	simm.s32 $0x15A80  }
0x45: {  	[tilespmem:s20], [sflag:$0x2] =	stream.indirect.gather [hbm4b:s4+s24], $0x80, s23, s24, $0xb8;
	[tilespmem:$0x1FA80] =	vst v63  }
0x46: {  	s17 =	simm.s32 $0x0;
	s22 =	rddreg [dreg:$0x9]  }
0x47: {  	[tilespmem:s28], [sflag:$0x5] =	stream.linear.gather [hbm4b:s22+s2], $0x2000, $0x38;
	[tilespmem:$0x1FA80] =	vst v63  }
.LBB2_2:
0x48: {  	s18 =	sshll.u32 s17, $0x6  }
0x49: {  	s2 =	sor.u32 s19, s18  }
0x4a: {  	s20 =	sshll.u32 s2, $0x3  }
0x4b: {  	s9 =	simm.s32 $0x0;
	s16 =	sadd.s32 s6, s20  }
0x4c: {  	[tilespmem:s29], [sflag:$0x8] =	stream.linear.gather [hbm4b:s16+s9], $0x40, $0x38;
	[tilespmem:$0x1FA80] =	vst v63  }
0x4d: {  	_ =	swait.ge [sflag:s30], $0x40  }
0x4e: {  	[sflag:s30] =	ssyncset.done $0x0  }
0x4f: {  	s22 =	sadd.s32 s7, s20;
	[sflag:s30] =	ssyncadd.s32 $0xFFFFFFC0  }
0x50: {  	[tilespmem:s31], [sflag:$0x8] =	stream.linear.gather [hbm4b:s22+s9], $0x40, $0x38;
	[tilespmem:$0x1FA80] =	vst v63  }
0x51: {  	_ =	swait.ge [sflag:s30], $0x40  }
0x52: {  	[sflag:s30] =	ssyncset.done $0x0  }
0x53: {  	[sflag:s30] =	ssyncadd.s32 $0xFFFFFFC0  }
0x54: {  	[tilespmem:s0], [sflag:$0x3] =	stream.indirect.gather [hbm4b:s3+s24], $0x80, s29, s24, $0xb8;
	[tilespmem:$0x1FA80] =	vst v63  }
0x55: {  	s2 =	sshll.u32 s2, $0xA  }
0x56: {  	[tilespmem:s25], [sflag:$0x4] =	stream.indirect.gather [hbm4b:s4+s24], $0x80, s31, s24, $0xb8;
	[tilespmem:$0x1FA80] =	vst v63  }
0x57: {  	s2 =	sadd.s32 s5, s2  }
0x58: {  	[tilespmem:s26], [sflag:$0x6] =	stream.linear.gather [hbm4b:s2+s9], $0x2000, $0x38;
	[tilespmem:$0x1FA80] =	vst v63  }
0x59: {  	_ =	swait.ge [sflag:s8], $0x2000  }
0x5a: {  	[sflag:s8] =	ssyncset.done $0x0  }
0x5b: {  	[sflag:s8] =	ssyncadd.s32 $0xFFFFE000  }
0x5c: {  	_ =	swait.ge [sflag:s10], $0x2000  }
0x5d: {  	[sflag:s10] =	ssyncset.done $0x0  }
0x5e: {  	[sflag:s10] =	ssyncadd.s32 $0xFFFFE000  }
0x5f: {  	_ =	swait.ge [sflag:s11], $0x2000  }
0x60: {  	[sflag:s11] =	ssyncset.done $0x0  }
0x61: {  	s2 =	simm.s32 $0x0;
	[sflag:s11] =	ssyncadd.s32 $0xFFFFE000  }
0x62: {  	v4 =	vld [tilespmem:s2+$0x15A80]  }
0x63: {  	v5 =	vld [tilespmem:s2+$0x15A90]  }
0x64: {  	v3 =	vld [tilespmem:s2+$0x15AA0]  }
0x65: {  	v2 =	vld [tilespmem:s2+$0x15AB0]  }
0x66: {  	v1 =	vld [tilespmem:s2+$0x15AC0]  }
0x67: {  	v0 =	vld [tilespmem:s2+$0x15AD0]  }
0x68: {  	v12 =	vld [tilespmem:s2+$0x13A80]  }
0x69: {  	v17 =	vld [tilespmem:s2+$0x13A90]  }
0x6a: {  	v11 =	vld [tilespmem:s2+$0x13AA0]  }
0x6b: {  	v10 =	vld [tilespmem:s2+$0x13AB0]  }
0x6c: {  	v9 =	vld [tilespmem:s2+$0x13AC0]  }
0x6d: {  	v8 =	vld [tilespmem:s2+$0x13AD0]  }
0x6e: {  	v7 =	vld [tilespmem:s2+$0x13AE0]  }
0x6f: {  	v6 =	vld [tilespmem:s2+$0x13AF0]  }
0x70: {  	v18 =	vld [tilespmem:s2+$0x1BA80]  }
0x71: {  	v19 =	vld [tilespmem:s2+$0x1BA90]  }
0x72: {  	v16 =	vld [tilespmem:s2+$0x1BAA0]  }
0x73: {  	v15 =	vld [tilespmem:s2+$0x1BAB0]  }
0x74: {  	v14 =	vld [tilespmem:s2+$0x1BAC0]  }
0x75: {  	v13 =	vld [tilespmem:s2+$0x1BAD0];
	v18 =	vadd.f32 v12, v18  }
0x76: {  	s20 =	simm.s32 $0x200;
	v17 =	vadd.f32 v17, v19;
	v12 =	vld [tilespmem:s2+$0x1BAE0]  }
.LBB2_3:
0x77: {  	p2 =	sne.s32 s20, $0x7E00;
	v4 =	vadd.f32 v4, v18;
	v11 =	vadd.f32 v11, v16;
	v16 =	vld [tilespmem:s2+$0x1BAF0]  }
0x78: {  	v5 =	vadd.f32 v5, v17;
	v10 =	vadd.f32 v10, v15;
	v15 =	vld [tilespmem:s2+$0x15AE0]  }
0x79: {  	s9 =	sshra.s32 s20, $0x2;
	v17 =	vmax.f32 v4, $0.0e+00;
	v3 =	vadd.f32 v3, v11;
	v9 =	vadd.f32 v9, v14;
	v11 =	vld [tilespmem:s2+$0x15AF0]  }
0x7a: {  	v4 =	vld [tilespmem:s9+$0x15A80];
	[tilespmem:s2+$0x1BA80] =	vst v17;
	v14 =	vmax.f32 v5, $0.0e+00;
	v2 =	vadd.f32 v2, v10;
	v8 =	vadd.f32 v8, v13  }
0x7b: {  	v5 =	vld [tilespmem:s9+$0x15A90];
	[tilespmem:s2+$0x1BA90] =	vst v14;
	v10 =	vmax.f32 v3, $0.0e+00;
	v1 =	vadd.f32 v1, v9;
	v7 =	vadd.f32 v7, v12  }
0x7c: {  	v3 =	vld [tilespmem:s9+$0x15AA0];
	[tilespmem:s2+$0x1BAA0] =	vst v10;
	v9 =	vmax.f32 v2, $0.0e+00;
	v0 =	vadd.f32 v0, v8;
	v6 =	vadd.f32 v6, v16  }
0x7d: {  	v2 =	vld [tilespmem:s9+$0x15AB0];
	[tilespmem:s2+$0x1BAB0] =	vst v9;
	v8 =	vmax.f32 v1, $0.0e+00;
	v7 =	vadd.f32 v15, v7  }
0x7e: {  	v1 =	vld [tilespmem:s9+$0x15AC0];
	[tilespmem:s2+$0x1BAC0] =	vst v8;
	v8 =	vmax.f32 v0, $0.0e+00;
	v6 =	vadd.f32 v11, v6  }
0x7f: {  	v0 =	vld [tilespmem:s9+$0x15AD0];
	[tilespmem:s2+$0x1BAD0] =	vst v8;
	v7 =	vmax.f32 v7, $0.0e+00  }
0x80: {  	v12 =	vld [tilespmem:s9+$0x13A80];
	[tilespmem:s2+$0x1BAE0] =	vst v7;
	v6 =	vmax.f32 v6, $0.0e+00  }
0x81: {  	v17 =	vld [tilespmem:s9+$0x13A90];
	[tilespmem:s2+$0x1BAF0] =	vst v6;
	s2 =	smov.u32 s9  }
0x82: {  	v11 =	vld [tilespmem:s2+$0x13AA0]  }
0x83: {  	v10 =	vld [tilespmem:s2+$0x13AB0]  }
0x84: {  	v9 =	vld [tilespmem:s2+$0x13AC0]  }
0x85: {  	v8 =	vld [tilespmem:s2+$0x13AD0]  }
0x86: {  	v7 =	vld [tilespmem:s2+$0x13AE0]  }
0x87: {  	v6 =	vld [tilespmem:s2+$0x13AF0]  }
0x88: {  	v13 =	vld [tilespmem:s2+$0x1BA80]  }
0x89: {  	v19 =	vld [tilespmem:s2+$0x1BA90]  }
.Ltmp2:
0x8a: {  	v16 =	vld [tilespmem:s2+$0x1BAA0];
	(pc) =	sbr.rel @p2 .LBB2_3-.Ltmp2, $4  }
0x8b: {  	v15 =	vld [tilespmem:s2+$0x1BAB0]  }
0x8c: {  	v14 =	vld [tilespmem:s2+$0x1BAC0]  }
0x8d: {  	v18 =	vadd.f32 v12, v13;
	v13 =	vld [tilespmem:s2+$0x1BAD0]  }
0x8e: {  	s20 =	sadd.s32 $0x200, s20;
	v17 =	vadd.f32 v17, v19;
	v12 =	vld [tilespmem:s2+$0x1BAE0]  }
0x8f: {  	v4 =	vadd.f32 v4, v18;
	v11 =	vadd.f32 v11, v16;
	v16 =	vld [tilespmem:s2+$0x1BAF0]  }
0x90: {  	v5 =	vadd.f32 v5, v17;
	v10 =	vadd.f32 v10, v15;
	v15 =	vld [tilespmem:s2+$0x15AE0]  }
0x91: {  	v4 =	vmax.f32 v4, $0.0e+00;
	v3 =	vadd.f32 v3, v11;
	v9 =	vadd.f32 v9, v14;
	v11 =	vld [tilespmem:s2+$0x15AF0]  }
0x92: {  	[tilespmem:s2+$0x1BA80] =	vst v4;
	v4 =	vmax.f32 v5, $0.0e+00;
	v2 =	vadd.f32 v2, v10;
	v5 =	vadd.f32 v8, v13  }
0x93: {  	[tilespmem:s2+$0x1BA90] =	vst v4;
	v3 =	vmax.f32 v3, $0.0e+00;
	v1 =	vadd.f32 v1, v9;
	v4 =	vadd.f32 v7, v12  }
0x94: {  	[tilespmem:s2+$0x1BAA0] =	vst v3;
	v2 =	vmax.f32 v2, $0.0e+00;
	v0 =	vadd.f32 v0, v5;
	v3 =	vadd.f32 v6, v16  }
0x95: {  	[tilespmem:s2+$0x1BAB0] =	vst v2;
	v1 =	vmax.f32 v1, $0.0e+00;
	v2 =	vadd.f32 v15, v4  }
0x96: {  	[tilespmem:s2+$0x1BAC0] =	vst v1;
	v0 =	vmax.f32 v0, $0.0e+00;
	v1 =	vadd.f32 v11, v3  }
0x97: {  	[tilespmem:s2+$0x1BAD0] =	vst v0;
	v0 =	vmax.f32 v2, $0.0e+00  }
0x98: {  	[tilespmem:s2+$0x1BAE0] =	vst v0;
	v0 =	vmax.f32 v1, $0.0e+00  }
0x99: {  	[tilespmem:s2+$0x1BAF0] =	vst v0;
	s2 =	sadd.s32 s15, s18  }
0x9a: {  	[spmem:s1] =	stream.indirect.scatter.add.f32 [tilespmem:s28], [sflag:$0x8], $0x80, s23, s24, $0xb8;
	[tilespmem:$0x1FA80] =	vst v63  }
0x9b: {  	p2 =	sgt.u32 s2, $0x1387;
	_ =	swait.ge [sflag:s30], $0x2000  }
0x9c: {  	s9 =	sshll.u32 @!p2 s2, $0x3;
	s18 =	simm.s32 @!p2 $0x0;
	[sflag:s30] =	ssyncset.done $0x0  }
0x9d: {  	s20 =	simm.s32 @!p2 $0x13880;
	s16 =	sadd.s32 @!p2 s6, s9;
	[sflag:s30] =	ssyncadd.s32 $0xFFFFE000  }
0x9e: {  	[tilespmem:s20], [sflag:$0x8] =	stream.linear.gather @!p2 [hbm4b:s16+s18], $0x40, $0x38;
	[tilespmem:$0x1FA80] =	vst v63  }
0x9f: {  	s16 =	simm.s32 @!p2 $0x8  }
0xa0: {  	_ =	swait.ge @!p2 [sflag:s16], $0x40  }
0xa1: {  	[sflag:s16] =	ssyncset.done @!p2 $0x0  }
0xa2: {  	s22 =	simm.s32 @!p2 $0x13900;
	s9 =	sadd.s32 @!p2 s7, s9;
	[sflag:s16] =	ssyncadd.s32 @!p2 $0xFFFFFFC0  }
0xa3: {  	[tilespmem:s22], [sflag:$0x8] =	stream.linear.gather @!p2 [hbm4b:s9+s18], $0x40, $0x38;
	[tilespmem:$0x1FA80] =	vst v63  }
0xa4: {  	_ =	swait.ge @!p2 [sflag:s16], $0x40  }
0xa5: {  	[sflag:s16] =	ssyncset.done @!p2 $0x0  }
0xa6: {  	s9 =	simm.s32 @!p2 $0x40;
	[sflag:s16] =	ssyncadd.s32 @!p2 $0xFFFFFFC0;
	s16 =	simm.s32 @!p2 $0x13A80  }
0xa7: {  	[tilespmem:s16], [sflag:$0x1] =	stream.indirect.gather @!p2 [hbm4b:s3+s9], $0x80, s20, s9, $0xb8;
	[tilespmem:$0x1FA80] =	vst v63  }
0xa8: {  	s2 =	sshll.u32 @!p2 s2, $0xA;
	s16 =	simm.s32 @!p2 $0x15A80  }
0xa9: {  	[tilespmem:s16], [sflag:$0x2] =	stream.indirect.gather @!p2 [hbm4b:s4+s9], $0x80, s22, s9, $0xb8;
	[tilespmem:$0x1FA80] =	vst v63  }
0xaa: {  	s2 =	sadd.s32 @!p2 s5, s2;
	s9 =	simm.s32 @!p2 $0x1BA80  }
0xab: {  	[tilespmem:s9], [sflag:$0x5] =	stream.linear.gather @!p2 [hbm4b:s2+s18], $0x2000, $0x38;
	[tilespmem:$0x1FA80] =	vst v63  }
0xac: {  	_ =	swait.ge [sflag:s12], $0x2000  }
0xad: {  	[sflag:s12] =	ssyncset.done $0x0  }
0xae: {  	[sflag:s12] =	ssyncadd.s32 $0xFFFFE000  }
0xaf: {  	_ =	swait.ge [sflag:s13], $0x2000  }
0xb0: {  	[sflag:s13] =	ssyncset.done $0x0  }
0xb1: {  	[sflag:s13] =	ssyncadd.s32 $0xFFFFE000  }
0xb2: {  	_ =	swait.ge [sflag:s14], $0x2000  }
0xb3: {  	[sflag:s14] =	ssyncset.done $0x0  }
0xb4: {  	s2 =	simm.s32 $0x0;
	[sflag:s14] =	ssyncadd.s32 $0xFFFFE000  }
0xb5: {  	v4 =	vld [tilespmem:s2+$0x19A80]  }
0xb6: {  	v5 =	vld [tilespmem:s2+$0x19A90]  }
0xb7: {  	v3 =	vld [tilespmem:s2+$0x19AA0]  }
0xb8: {  	v2 =	vld [tilespmem:s2+$0x19AB0]  }
0xb9: {  	v1 =	vld [tilespmem:s2+$0x19AC0]  }
0xba: {  	v0 =	vld [tilespmem:s2+$0x19AD0]  }
0xbb: {  	v12 =	vld [tilespmem:s2+$0x17A80]  }
0xbc: {  	v17 =	vld [tilespmem:s2+$0x17A90]  }
0xbd: {  	v11 =	vld [tilespmem:s2+$0x17AA0]  }
0xbe: {  	v10 =	vld [tilespmem:s2+$0x17AB0]  }
0xbf: {  	v9 =	vld [tilespmem:s2+$0x17AC0]  }
0xc0: {  	v8 =	vld [tilespmem:s2+$0x17AD0]  }
0xc1: {  	v7 =	vld [tilespmem:s2+$0x17AE0]  }
0xc2: {  	v6 =	vld [tilespmem:s2+$0x17AF0]  }
0xc3: {  	v18 =	vld [tilespmem:s2+$0x1DA80]  }
0xc4: {  	v19 =	vld [tilespmem:s2+$0x1DA90]  }
0xc5: {  	v16 =	vld [tilespmem:s2+$0x1DAA0]  }
0xc6: {  	v15 =	vld [tilespmem:s2+$0x1DAB0]  }
0xc7: {  	v14 =	vld [tilespmem:s2+$0x1DAC0]  }
0xc8: {  	v13 =	vld [tilespmem:s2+$0x1DAD0];
	v18 =	vadd.f32 v12, v18  }
0xc9: {  	s18 =	simm.s32 $0x200;
	v17 =	vadd.f32 v17, v19;
	v12 =	vld [tilespmem:s2+$0x1DAE0]  }
.LBB2_5:
0xca: {  	p2 =	sne.s32 s18, $0x7E00;
	v4 =	vadd.f32 v4, v18;
	v11 =	vadd.f32 v11, v16;
	v16 =	vld [tilespmem:s2+$0x1DAF0]  }
0xcb: {  	v5 =	vadd.f32 v5, v17;
	v10 =	vadd.f32 v10, v15;
	v15 =	vld [tilespmem:s2+$0x19AE0]  }
0xcc: {  	s9 =	sshra.s32 s18, $0x2;
	v17 =	vmax.f32 v4, $0.0e+00;
	v3 =	vadd.f32 v3, v11;
	v9 =	vadd.f32 v9, v14;
	v11 =	vld [tilespmem:s2+$0x19AF0]  }
0xcd: {  	v4 =	vld [tilespmem:s9+$0x19A80];
	[tilespmem:s2+$0x1DA80] =	vst v17;
	v14 =	vmax.f32 v5, $0.0e+00;
	v2 =	vadd.f32 v2, v10;
	v8 =	vadd.f32 v8, v13  }
0xce: {  	v5 =	vld [tilespmem:s9+$0x19A90];
	[tilespmem:s2+$0x1DA90] =	vst v14;
	v10 =	vmax.f32 v3, $0.0e+00;
	v1 =	vadd.f32 v1, v9;
	v7 =	vadd.f32 v7, v12  }
0xcf: {  	v3 =	vld [tilespmem:s9+$0x19AA0];
	[tilespmem:s2+$0x1DAA0] =	vst v10;
	v9 =	vmax.f32 v2, $0.0e+00;
	v0 =	vadd.f32 v0, v8;
	v6 =	vadd.f32 v6, v16  }
0xd0: {  	v2 =	vld [tilespmem:s9+$0x19AB0];
	[tilespmem:s2+$0x1DAB0] =	vst v9;
	v8 =	vmax.f32 v1, $0.0e+00;
	v7 =	vadd.f32 v15, v7  }
0xd1: {  	v1 =	vld [tilespmem:s9+$0x19AC0];
	[tilespmem:s2+$0x1DAC0] =	vst v8;
	v8 =	vmax.f32 v0, $0.0e+00;
	v6 =	vadd.f32 v11, v6  }
0xd2: {  	v0 =	vld [tilespmem:s9+$0x19AD0];
	[tilespmem:s2+$0x1DAD0] =	vst v8;
	v7 =	vmax.f32 v7, $0.0e+00  }
0xd3: {  	v12 =	vld [tilespmem:s9+$0x17A80];
	[tilespmem:s2+$0x1DAE0] =	vst v7;
	v6 =	vmax.f32 v6, $0.0e+00  }
0xd4: {  	v17 =	vld [tilespmem:s9+$0x17A90];
	[tilespmem:s2+$0x1DAF0] =	vst v6;
	s2 =	smov.u32 s9  }
0xd5: {  	v11 =	vld [tilespmem:s2+$0x17AA0]  }
0xd6: {  	v10 =	vld [tilespmem:s2+$0x17AB0]  }
0xd7: {  	v9 =	vld [tilespmem:s2+$0x17AC0]  }
0xd8: {  	v8 =	vld [tilespmem:s2+$0x17AD0]  }
0xd9: {  	v7 =	vld [tilespmem:s2+$0x17AE0]  }
0xda: {  	v6 =	vld [tilespmem:s2+$0x17AF0]  }
0xdb: {  	v13 =	vld [tilespmem:s2+$0x1DA80]  }
0xdc: {  	v19 =	vld [tilespmem:s2+$0x1DA90]  }
.Ltmp3:
0xdd: {  	v16 =	vld [tilespmem:s2+$0x1DAA0];
	(pc) =	sbr.rel @p2 .LBB2_5-.Ltmp3, $4  }
0xde: {  	v15 =	vld [tilespmem:s2+$0x1DAB0]  }
0xdf: {  	v14 =	vld [tilespmem:s2+$0x1DAC0]  }
0xe0: {  	v18 =	vadd.f32 v12, v13;
	v13 =	vld [tilespmem:s2+$0x1DAD0]  }
0xe1: {  	s18 =	sadd.s32 $0x200, s18;
	v17 =	vadd.f32 v17, v19;
	v12 =	vld [tilespmem:s2+$0x1DAE0]  }
0xe2: {  	v4 =	vadd.f32 v4, v18;
	v11 =	vadd.f32 v11, v16;
	v53 =	vld [tilespmem:s2+$0x1DAF0]  }
0xe3: {  	v54 =	vld [tilespmem:s2+$0x19AE0];
	v5 =	vadd.f32 v5, v17;
	v10 =	vadd.f32 v10, v15  }
0xe4: {  	v55 =	vld [tilespmem:s2+$0x19AF0];
	v4 =	vmax.f32 v4, $0.0e+00;
	v3 =	vadd.f32 v3, v11;
	v9 =	vadd.f32 v9, v14  }
0xe5: {  	[tilespmem:s2+$0x1DA80] =	vst v4;
	v56 =	vmax.f32 v5, $0.0e+00;
	v2 =	vadd.f32 v2, v10;
	v57 =	vadd.f32 v8, v13  }
0xe6: {  	[tilespmem:s2+$0x1DA90] =	vst v56;
	v3 =	vmax.f32 v3, $0.0e+00;
	v1 =	vadd.f32 v1, v9;
	v58 =	vadd.f32 v7, v12  }
0xe7: {  	[tilespmem:s2+$0x1DAA0] =	vst v3;
	v2 =	vmax.f32 v2, $0.0e+00;
	v0 =	vadd.f32 v0, v57;
	v59 =	vadd.f32 v6, v53  }
0xe8: {  	[tilespmem:s2+$0x1DAB0] =	vst v2;
	v1 =	vmax.f32 v1, $0.0e+00;
	v60 =	vadd.f32 v54, v58  }
0xe9: {  	[tilespmem:s2+$0x1DAC0] =	vst v1;
	v0 =	vmax.f32 v0, $0.0e+00;
	v61 =	vadd.f32 v55, v59  }
0xea: {  	s17 =	sadd.s32 $0x1, s17;
	[tilespmem:s2+$0x1DAD0] =	vst v0;
	v62 =	vmax.f32 v60, $0.0e+00  }
0xeb: {  	p2 =	sne.s32 s17, $0x4E;
	[tilespmem:s2+$0x1DAE0] =	vst v62;
	v63 =	vmax.f32 v61, $0.0e+00  }
.Ltmp4:
0xec: {  	[tilespmem:s2+$0x1DAF0] =	vst v63;
	(pc) =	sbr.rel @p2 .LBB2_2-.Ltmp4, $4  }
0xed: {  	[spmem:s1] =	stream.indirect.scatter.add.f32 [tilespmem:s26], [sflag:$0x7], $0x80, s31, s24, $0xb8;
	[tilespmem:$0x1FA80] =	vst v63  }
0xee: {  	_ =	swait.ge [sflag:s21], $0x2000  }
0xef: {  	[sflag:s21] =	ssyncset.done $0x0  }
0xf0: {  	[sflag:s21] =	ssyncadd.s32 $0xFFFFE000  }
.Ltmp5:
0xf1: {  	(pc) =	sbr.rel @p1 .LBB2_11-.Ltmp5, $2  }
0xf2: {  	_ =	sdelay $0x2  }
0xf3: {  	s18 =	rddreg [dreg:$0xe]  }
0xf4: {  	_ =	swait.ge [sflag:s8], $0x2000  }
0xf5: {  	[sflag:s8] =	ssyncset.done $0x0  }
0xf6: {  	[sflag:s8] =	ssyncadd.s32 $0xFFFFE000  }
0xf7: {  	_ =	swait.ge [sflag:s10], $0x2000  }
0xf8: {  	[sflag:s10] =	ssyncset.done $0x0  }
0xf9: {  	[sflag:s10] =	ssyncadd.s32 $0xFFFFE000  }
0xfa: {  	_ =	swait.ge [sflag:s11], $0x2000  }
0xfb: {  	[sflag:s11] =	ssyncset.done $0x0  }
0xfc: {  	s2 =	simm.s32 $0x0;
	[sflag:s11] =	ssyncadd.s32 $0xFFFFE000  }
0xfd: {  	v4 =	vld [tilespmem:s2+$0x15A80]  }
0xfe: {  	v5 =	vld [tilespmem:s2+$0x15A90]  }
0xff: {  	v3 =	vld [tilespmem:s2+$0x15AA0]  }
0x100: {  	v2 =	vld [tilespmem:s2+$0x15AB0]  }
0x101: {  	v1 =	vld [tilespmem:s2+$0x15AC0]  }
0x102: {  	v0 =	vld [tilespmem:s2+$0x15AD0]  }
0x103: {  	v12 =	vld [tilespmem:s2+$0x13A80]  }
0x104: {  	v17 =	vld [tilespmem:s2+$0x13A90]  }
0x105: {  	v11 =	vld [tilespmem:s2+$0x13AA0]  }
0x106: {  	v10 =	vld [tilespmem:s2+$0x13AB0]  }
0x107: {  	v9 =	vld [tilespmem:s2+$0x13AC0]  }
0x108: {  	v8 =	vld [tilespmem:s2+$0x13AD0]  }
0x109: {  	v7 =	vld [tilespmem:s2+$0x13AE0]  }
0x10a: {  	v6 =	vld [tilespmem:s2+$0x13AF0]  }
0x10b: {  	v18 =	vld [tilespmem:s2+$0x1BA80]  }
0x10c: {  	v19 =	vld [tilespmem:s2+$0x1BA90]  }
0x10d: {  	v16 =	vld [tilespmem:s2+$0x1BAA0]  }
0x10e: {  	v15 =	vld [tilespmem:s2+$0x1BAB0]  }
0x10f: {  	v14 =	vld [tilespmem:s2+$0x1BAC0]  }
0x110: {  	v13 =	vld [tilespmem:s2+$0x1BAD0];
	v18 =	vadd.f32 v12, v18  }
0x111: {  	s17 =	simm.s32 $0x200;
	v17 =	vadd.f32 v17, v19;
	v12 =	vld [tilespmem:s2+$0x1BAE0]  }
.LBB2_9:
0x112: {  	p2 =	sne.s32 s17, $0x7E00;
	v4 =	vadd.f32 v4, v18;
	v11 =	vadd.f32 v11, v16;
	v16 =	vld [tilespmem:s2+$0x1BAF0]  }
0x113: {  	v5 =	vadd.f32 v5, v17;
	v10 =	vadd.f32 v10, v15;
	v15 =	vld [tilespmem:s2+$0x15AE0]  }
0x114: {  	s9 =	sshra.s32 s17, $0x2;
	v17 =	vmax.f32 v4, $0.0e+00;
	v3 =	vadd.f32 v3, v11;
	v9 =	vadd.f32 v9, v14;
	v11 =	vld [tilespmem:s2+$0x15AF0]  }
0x115: {  	v4 =	vld [tilespmem:s9+$0x15A80];
	[tilespmem:s2+$0x1BA80] =	vst v17;
	v14 =	vmax.f32 v5, $0.0e+00;
	v2 =	vadd.f32 v2, v10;
	v8 =	vadd.f32 v8, v13  }
0x116: {  	v5 =	vld [tilespmem:s9+$0x15A90];
	[tilespmem:s2+$0x1BA90] =	vst v14;
	v10 =	vmax.f32 v3, $0.0e+00;
	v1 =	vadd.f32 v1, v9;
	v7 =	vadd.f32 v7, v12  }
0x117: {  	v3 =	vld [tilespmem:s9+$0x15AA0];
	[tilespmem:s2+$0x1BAA0] =	vst v10;
	v9 =	vmax.f32 v2, $0.0e+00;
	v0 =	vadd.f32 v0, v8;
	v6 =	vadd.f32 v6, v16  }
0x118: {  	v2 =	vld [tilespmem:s9+$0x15AB0];
	[tilespmem:s2+$0x1BAB0] =	vst v9;
	v8 =	vmax.f32 v1, $0.0e+00;
	v7 =	vadd.f32 v15, v7  }
0x119: {  	v1 =	vld [tilespmem:s9+$0x15AC0];
	[tilespmem:s2+$0x1BAC0] =	vst v8;
	v8 =	vmax.f32 v0, $0.0e+00;
	v6 =	vadd.f32 v11, v6  }
0x11a: {  	v0 =	vld [tilespmem:s9+$0x15AD0];
	[tilespmem:s2+$0x1BAD0] =	vst v8;
	v7 =	vmax.f32 v7, $0.0e+00  }
0x11b: {  	v12 =	vld [tilespmem:s9+$0x13A80];
	[tilespmem:s2+$0x1BAE0] =	vst v7;
	v6 =	vmax.f32 v6, $0.0e+00  }
0x11c: {  	v17 =	vld [tilespmem:s9+$0x13A90];
	[tilespmem:s2+$0x1BAF0] =	vst v6;
	s2 =	smov.u32 s9  }
0x11d: {  	v11 =	vld [tilespmem:s2+$0x13AA0]  }
0x11e: {  	v10 =	vld [tilespmem:s2+$0x13AB0]  }
0x11f: {  	v9 =	vld [tilespmem:s2+$0x13AC0]  }
0x120: {  	v8 =	vld [tilespmem:s2+$0x13AD0]  }
0x121: {  	v7 =	vld [tilespmem:s2+$0x13AE0]  }
0x122: {  	v6 =	vld [tilespmem:s2+$0x13AF0]  }
0x123: {  	v13 =	vld [tilespmem:s2+$0x1BA80]  }
0x124: {  	v19 =	vld [tilespmem:s2+$0x1BA90]  }
.Ltmp6:
0x125: {  	v16 =	vld [tilespmem:s2+$0x1BAA0];
	(pc) =	sbr.rel @p2 .LBB2_9-.Ltmp6, $4  }
0x126: {  	v15 =	vld [tilespmem:s2+$0x1BAB0]  }
0x127: {  	v14 =	vld [tilespmem:s2+$0x1BAC0]  }
0x128: {  	v18 =	vadd.f32 v12, v13;
	v13 =	vld [tilespmem:s2+$0x1BAD0]  }
0x129: {  	s17 =	sadd.s32 $0x200, s17;
	v17 =	vadd.f32 v17, v19;
	v12 =	vld [tilespmem:s2+$0x1BAE0]  }
0x12a: {  	v4 =	vadd.f32 v4, v18;
	v11 =	vadd.f32 v11, v16;
	v53 =	vld [tilespmem:s2+$0x1BAF0]  }
0x12b: {  	v54 =	vld [tilespmem:s2+$0x15AE0];
	v5 =	vadd.f32 v5, v17;
	v10 =	vadd.f32 v10, v15  }
0x12c: {  	v55 =	vld [tilespmem:s2+$0x15AF0];
	v4 =	vmax.f32 v4, $0.0e+00;
	v3 =	vadd.f32 v3, v11;
	v9 =	vadd.f32 v9, v14  }
0x12d: {  	[tilespmem:s2+$0x1BA80] =	vst v4;
	v56 =	vmax.f32 v5, $0.0e+00;
	v2 =	vadd.f32 v2, v10;
	v57 =	vadd.f32 v8, v13  }
0x12e: {  	[tilespmem:s2+$0x1BA90] =	vst v56;
	v3 =	vmax.f32 v3, $0.0e+00;
	v1 =	vadd.f32 v1, v9;
	v58 =	vadd.f32 v7, v12  }
0x12f: {  	[tilespmem:s2+$0x1BAA0] =	vst v3;
	v2 =	vmax.f32 v2, $0.0e+00;
	v0 =	vadd.f32 v0, v57;
	v59 =	vadd.f32 v6, v53  }
0x130: {  	[tilespmem:s2+$0x1BAB0] =	vst v2;
	v1 =	vmax.f32 v1, $0.0e+00;
	v60 =	vadd.f32 v54, v58  }
0x131: {  	[tilespmem:s2+$0x1BAC0] =	vst v1;
	v0 =	vmax.f32 v0, $0.0e+00;
	v61 =	vadd.f32 v55, v59  }
0x132: {  	[tilespmem:s2+$0x1BAD0] =	vst v0;
	v62 =	vmax.f32 v60, $0.0e+00  }
0x133: {  	[tilespmem:s2+$0x1BAE0] =	vst v62;
	v63 =	vmax.f32 v61, $0.0e+00  }
.Ltmp7:
0x134: {  	[tilespmem:s2+$0x1BAF0] =	vst v63;
	(pc) =	sbr.rel .LBB2_11-.Ltmp7, $4  }
0x135: {  	[spmem:s1] =	stream.indirect.scatter.add.f32 [tilespmem:s28], [sflag:$0x7], $0x80, s23, s24, $0xb8;
	[tilespmem:$0x1FA80] =	vst v63  }
0x136: {  	_ =	swait.ge [sflag:s21], $0x2000  }
0x137: {  	[sflag:s21] =	ssyncset.done $0x0  }
0x138: {  	[sflag:s21] =	ssyncadd.s32 $0xFFFFE000  }
.LBB2_12:
0x139: {  	_ =	sfence.sel $0x180000  }
0x13a: {  	[bflag:$0x0] =	sbarrier.arrive $0xFFFF  }
0x13b: {  	_ =	strace $0x90000047  }
0x13c: {  	[bflag:$0x2] =	sbarrier.arrive $0xFFFF  }
0x13d: {  	s0 =	rddreg [dreg:$0x2]  }
0x13e: {  	s0 =	sadd.s32 @!p0 $0x100000, s0  }
0x13f: {  	[sflag:s0] =	ssyncadd.tile.s32 @!p0 $0x1;
	_ =	shalt  }
.Lfunc_end2:
_tile_overlayer_lowered:
.L_overlay_start_2:
0x140: {  	(tag) =	ssettag $0x2  }
0x141: {  	s0 =	rddreg [dreg:$0x0];
	s2 =	stileid.u32  }
0x142: {  	s1 =	rddreg [dreg:$0x1];
	p0 =	sne.s32 s2, $0x0  }
0x143: {  	s3 =	rddreg [dreg:$0x2];
	[bflag:$0x3] =	sbarrier.arrive $0xFFFF;
	s2 =	simm.s32 @!p0 $0x1C07  }
0x144: {  	[timem:s3], [sflag:s2] =	dma.local @!p0 [hbm:s0], s1  }
0x145: {  	s0 =	simm.s32 @!p0 $0x7  }
0x146: {  	_ =	swait.ge @!p0 [sflag:s0], s1  }
0x147: {  	s1 =	ssub.s32 @!p0 $0x0, s1;
	[sflag:s0] =	ssyncset.done @!p0 $0x0  }
0x148: {  	[sflag:s0] =	ssyncadd.s32 @!p0 s1  }
0x149: {  	[bflag:$0x3] =	sbarrier.arrive $0xFFFF  }
0x14a: {  	_ =	shalt  }

</sc_bundles>
